<compile_context>
chip_gen: v7x
topology: tpu7x:2x2x1
jax: 0.10.2.dev20260603
libtpu: 0.0.44.dev20260713+nightly
codegen_flags: <defaults>
</compile_context>

<pallas_src>
import functools

import jax
import jax.numpy as jnp
from jax import lax
from jax.experimental import pallas as pl
from jax.experimental.pallas import tpu as pltpu
from jax.experimental.pallas import tpu_sc as plsc

_EMB = 128
_NC, _NS = 2, 16
_NW = _NC * _NS
_C = 128

_BT, _LT = 1024, 200
_LI = 20
_NT = _BT * _LT
_NI = _BT * _LI
_TCHUNKS = _NT // (_NW * _C)
_ICHUNKS = _NI // (_NW * _C)
_IMG_IN = 2048

_MESH = plsc.VectorSubcoreMesh(core_axis_name="c", subcore_axis_name="s")
_PARAMS = pltpu.CompilerParams(use_tc_tiling_on_sc=True)


def _sc_text_body(tok, post, t0, t1, t2, tp, text_out,
                  v_t0, v_t1, v_t2, v_tp, didx, pv,
                  bA, bB, bC, gsA, gsB, gsC, ssA, ssB, ssC):
    wid = lax.axis_index("s") * _NC + lax.axis_index("c")

    pltpu.sync_copy(t0.at[wid], v_t0)
    pltpu.sync_copy(t1.at[wid], v_t1)
    pltpu.sync_copy(t2.at[wid], v_t2)
    pltpu.sync_copy(tp.at[wid], v_tp)

    @pl.when(lax.axis_index("s") == 0)
    def _():
        pltpu.sync_copy(post, pv)

    plsc.subcore_barrier()

    lane = jnp.arange(16, dtype=jnp.int32) * _LT

    def dst_fill(c, k):
        gg = wid * _TCHUNKS + c
        base = (gg % (_BT // _C)) * _C * _LT + gg // (_BT // _C)
        for g in range(_C // 16):
            didx[k, pl.ds(g * 16, 16)] = lane + (base + g * 16 * _LT)

    def adds3(c, buf, gsem):
        pltpu.async_copy(tok.at[v_t0.at[c]], buf, gsem, add=True)
        pltpu.async_copy(tok.at[v_t1.at[c]], buf, gsem, add=True)
        pltpu.async_copy(tok.at[v_t2.at[c]], buf, gsem, add=True)

    def wait_adds3(c, buf, gsem):
        pltpu.make_async_copy(tok.at[v_t0.at[c]], buf, gsem).wait()
        pltpu.make_async_copy(tok.at[v_t1.at[c]], buf, gsem).wait()
        pltpu.make_async_copy(tok.at[v_t2.at[c]], buf, gsem).wait()

    def pos_fill(c, buf, gsem):
        pltpu.async_copy(pv.at[v_tp.at[c]], buf, gsem).wait()

    def scat(k, buf, ssem):
        return pltpu.async_copy(buf, text_out.at[didx.at[k]], ssem)

    def wait_scat(k, buf, ssem):
        pltpu.make_async_copy(buf, text_out.at[didx.at[k]], ssem).wait()

    bufs = (bA, bB, bC)
    gsems = (gsA, gsB, gsC)
    ssems = (ssA, ssB, ssC)
    n_slots = _TCHUNKS + 1
    n_iters = (n_slots + 2) // 3

    def ring(i, _):
        for k in range(3):
            c = 3 * i + k
            buf, gsem, ssem = bufs[k], gsems[k], ssems[k]

            @pl.when(jnp.logical_and(c >= 3, c < _TCHUNKS))
            def _():
                wait_scat(k, buf, ssem)

            @pl.when(c < _TCHUNKS)
            def _():
                dst_fill(c, k)
                pos_fill(c, buf, gsem)
                adds3(c, buf, gsem)

            p = c - 1
            kp = (k + 2) % 3
            pbuf, pgsem, pssem = bufs[kp], gsems[kp], ssems[kp]

            @pl.when(jnp.logical_and(p >= 0, p < _TCHUNKS))
            def _():
                wait_adds3(p, pbuf, pgsem)
                scat(kp, pbuf, pssem)

        return 0

    lax.fori_loop(0, n_iters, ring, 0)
    for c in (_TCHUNKS - 3, _TCHUNKS - 2, _TCHUNKS - 1):
        wait_scat(c % 3, bufs[c % 3], ssems[c % 3])


_sc_text = functools.partial(
    pl.kernel,
    out_type=jax.ShapeDtypeStruct((_NT, _EMB), jnp.float32),
    mesh=_MESH,
    compiler_params=_PARAMS,
    scratch_types=[
        pltpu.VMEM((_TCHUNKS, _C), jnp.int32),
        pltpu.VMEM((_TCHUNKS, _C), jnp.int32),
        pltpu.VMEM((_TCHUNKS, _C), jnp.int32),
        pltpu.VMEM((_TCHUNKS, _C), jnp.int32),
        pltpu.VMEM((3, _C), jnp.int32),
        pltpu.VMEM_SHARED((_LT + 1, _EMB), jnp.float32),
        pltpu.VMEM((_C, _EMB), jnp.float32),
        pltpu.VMEM((_C, _EMB), jnp.float32),
        pltpu.VMEM((_C, _EMB), jnp.float32),
        pltpu.SemaphoreType.DMA,
        pltpu.SemaphoreType.DMA,
        pltpu.SemaphoreType.DMA,
        pltpu.SemaphoreType.DMA,
        pltpu.SemaphoreType.DMA,
        pltpu.SemaphoreType.DMA,
    ],
)(_sc_text_body)


def _sc_img_body(tok, i0, i1, i2, img_out,
                 v_i0, v_i1, v_i2, bA, bB, gsA, gsB):
    wid = lax.axis_index("s") * _NC + lax.axis_index("c")

    pltpu.sync_copy(i0.at[wid], v_i0)
    pltpu.sync_copy(i1.at[wid], v_i1)
    pltpu.sync_copy(i2.at[wid], v_i2)

    def g0(c, buf, gsem):
        return pltpu.async_copy(tok.at[v_i0.at[c]], buf, gsem)

    def adds(c, buf, gsem):
        pltpu.async_copy(tok.at[v_i1.at[c]], buf, gsem, add=True)
        pltpu.async_copy(tok.at[v_i2.at[c]], buf, gsem, add=True)

    def wait_adds(c, buf, gsem):
        pltpu.make_async_copy(tok.at[v_i1.at[c]], buf, gsem).wait()
        pltpu.make_async_copy(tok.at[v_i2.at[c]], buf, gsem).wait()

    def out_at(c):
        return img_out.at[pl.ds(wid * (_ICHUNKS * _C) + c * _C, _C)]

    bufs = (bA, bB)
    sems = (gsA, gsB)
    g0(0, bA, gsA).wait()
    adds(0, bA, gsA)
    for c in range(1, _ICHUNKS + 1):
        if c < _ICHUNKS:
            g0(c, bufs[c % 2], sems[c % 2]).wait()
            adds(c, bufs[c % 2], sems[c % 2])
        p = c - 1
        wait_adds(p, bufs[p % 2], sems[p % 2])
        pltpu.sync_copy(bufs[p % 2], out_at(p))


_sc_img = functools.partial(
    pl.kernel,
    out_type=jax.ShapeDtypeStruct((_NI, _EMB), jnp.float32),
    mesh=_MESH,
    compiler_params=_PARAMS,
    scratch_types=[
        pltpu.VMEM((_ICHUNKS, _C), jnp.int32),
        pltpu.VMEM((_ICHUNKS, _C), jnp.int32),
        pltpu.VMEM((_ICHUNKS, _C), jnp.int32),
        pltpu.VMEM((_C, _EMB), jnp.float32),
        pltpu.VMEM((_C, _EMB), jnp.float32),
        pltpu.SemaphoreType.DMA,
        pltpu.SemaphoreType.DMA,
    ],
)(_sc_img_body)


def _mm_body(x_ref, w_ref, g_ref, o_ref):
    o_ref[...] = (
        jnp.dot(x_ref[...], w_ref[...], preferred_element_type=jnp.float32)
        + g_ref[...]
    )


def _img_project(x, w_t, gsum):
    m_blk = 1024
    return pl.pallas_call(
        _mm_body,
        grid=(_NI // m_blk,),
        in_specs=[
            pl.BlockSpec((m_blk, _IMG_IN), lambda i: (i, 0)),
            pl.BlockSpec((_IMG_IN, _EMB), lambda i: (0, 0)),
            pl.BlockSpec((m_blk, _EMB), lambda i: (i, 0)),
        ],
        out_specs=pl.BlockSpec((m_blk, _EMB), lambda i: (i, 0)),
        out_shape=jax.ShapeDtypeStruct((_NI, _EMB), jnp.float32),
    )(x, w_t, gsum)


def kernel(src_input, src_pos, src_turn, src_speaker, image_input,
           image_pos, image_turn, image_speaker, tok_table, pos_table, W_img):
    i32 = jnp.int32

    def lmajor(a, chunks):
        return a.T.astype(i32).reshape(_NW, chunks, _C)

    t0 = lmajor(src_input, _TCHUNKS)
    t1 = lmajor(src_turn, _TCHUNKS)
    t2 = lmajor(src_speaker, _TCHUNKS)
    tp = lmajor(src_pos, _TCHUNKS)
    i0 = lmajor(image_turn, _ICHUNKS)
    i1 = lmajor(image_speaker, _ICHUNKS)
    i2 = lmajor(image_pos, _ICHUNKS)

    img_gather = _sc_img(tok_table, i0, i1, i2)
    text_flat = _sc_text(tok_table, pos_table, t0, t1, t2, tp)

    x = image_input.transpose(1, 0, 2).reshape(_NI, _IMG_IN)
    img_flat = _img_project(x, W_img.T, img_gather)

    return (text_flat.reshape(_BT, _LT, _EMB),
            img_flat.reshape(_LI, _BT, _EMB).transpose(1, 0, 2))

# --- scband reference (transcript-rebuilt; emitter-appended) ---
"""Pipeline reference for scband-emb-58823872086069 (READ-ONLY COPY).

The authoritative reference and input builder live on the scoring server;
editing this copy changes nothing except your own understanding.
"""

import jax, jax.numpy as jnp
import numpy as np

VOCAB = 100000
EMB = 128
MAX_TEXT_LEN = 200
IMG_IN = 2048
PAD_ID = 0


def _position_encoding_table(n_position, d_hid, padding_idx=None):
    pos = np.arange(n_position)[:, None].astype(np.float64)
    hid = np.arange(d_hid)[None, :]
    angle = pos / np.power(10000.0, 2 * (hid // 2) / d_hid)
    table = angle.copy()
    table[:, 0::2] = np.sin(angle[:, 0::2])
    table[:, 1::2] = np.cos(angle[:, 1::2])
    if padding_idx is not None:
        table[padding_idx] = 0.0
    return jnp.asarray(table, dtype=jnp.float32)


def setup_inputs(seed: int = 0) -> dict:
    key = jax.random.key(seed)
    ks = jax.random.split(key, 12)
    B, L, Li = 1024, 200, 20
    src_input = jax.random.randint(ks[0], (B, L), 0, VOCAB, dtype=jnp.int64 if jax.config.jax_enable_x64 else jnp.int32)
    src_pos = jax.random.randint(ks[1], (B, L), 0, MAX_TEXT_LEN + 1)
    src_turn = jax.random.randint(ks[2], (B, L), 0, VOCAB)
    src_speaker = jax.random.randint(ks[3], (B, L), 0, VOCAB)
    image_input = jax.random.normal(ks[4], (B, Li, IMG_IN), dtype=jnp.float32)
    image_pos = jax.random.randint(ks[5], (B, Li), 0, VOCAB)
    image_turn = jax.random.randint(ks[6], (B, Li), 0, VOCAB)
    image_speaker = jax.random.randint(ks[7], (B, Li), 0, VOCAB)
    tok_table = jax.random.normal(ks[8], (VOCAB, EMB), dtype=jnp.float32)
    tok_table = tok_table.at[PAD_ID].set(0.0)  # padding_idx row initialized to zero
    pos_table = _position_encoding_table(MAX_TEXT_LEN + 1, EMB, padding_idx=0)
    W_img = jax.random.normal(ks[9], (EMB, IMG_IN), dtype=jnp.float32) / np.sqrt(IMG_IN)
    return {
        'src_input': src_input, 'src_pos': src_pos, 'src_turn': src_turn,
        'src_speaker': src_speaker, 'image_input': image_input,
        'image_pos': image_pos, 'image_turn': image_turn,
        'image_speaker': image_speaker,
        'tok_table': tok_table, 'pos_table': pos_table, 'W_img': W_img,
    }


def reference(src_input, src_pos, src_turn, src_speaker, image_input,
              image_pos, image_turn, image_speaker, tok_table, pos_table, W_img):
    text_outputs = (jnp.take(tok_table, src_input, axis=0)
                    + jnp.take(tok_table, src_turn, axis=0)
                    + jnp.take(tok_table, src_speaker, axis=0)
                    + jnp.take(pos_table, src_pos, axis=0))
    image_outputs = (jnp.einsum('bli,oi->blo', image_input, W_img)
                     + jnp.take(tok_table, image_turn, axis=0)
                     + jnp.take(tok_table, image_speaker, axis=0)
                     + jnp.take(tok_table, image_pos, axis=0))
    return (text_outputs, image_outputs)

if __name__ == "__main__":
    import jax
    _d = setup_inputs()
    print(jax.jit(kernel)(*tuple(_d.values())))

</pallas_src>

<mosaic_0001>
#map = affine_map<(d0, d1) -> (0, 0)>
#map1 = affine_map<(d0, d1) -> (0, 0, 0)>
module attributes {stable_mosaic.version = 14 : i64} {
  func.func @_sc_img_body(%arg0: i32, %arg1: i32, %arg2: memref<100000x128xf32, #tpu.memory_space<hbm>>, %arg3: memref<32x5x128xi32, #tpu.memory_space<hbm>>, %arg4: memref<32x5x128xi32, #tpu.memory_space<hbm>>, %arg5: memref<32x5x128xi32, #tpu.memory_space<hbm>>, %arg6: memref<20480x128xf32, #tpu.memory_space<hbm>>, %arg7: memref<5x128xi32, #tpu.memory_space<vmem>>, %arg8: memref<5x128xi32, #tpu.memory_space<vmem>>, %arg9: memref<5x128xi32, #tpu.memory_space<vmem>>, %arg10: memref<128x128xf32, #tpu.memory_space<vmem>>, %arg11: memref<128x128xf32, #tpu.memory_space<vmem>>, %arg12: memref<!tpu.dma_semaphore, #tpu.memory_space<semaphore_mem>>, %arg13: memref<!tpu.dma_semaphore, #tpu.memory_space<semaphore_mem>>) attributes {dimension_semantics = [#tpu.dimension_semantics<core_parallel>, #tpu.dimension_semantics<subcore_parallel>], iteration_bounds = array<i64: 2, 16>, scalar_prefetch = 0 : i64, scratch_operands = 7 : i64, tpu.core_type = #tpu.core_type<sc_vector_subcore>, window_params = [{transform_indices = #map}, {transform_indices = #map1}, {transform_indices = #map1}, {transform_indices = #map1}, {transform_indices = #map}]} {
    %mul3A = arith.constant 2 : i32
    %mul3A_0 = arith.muli %arg1, %mul3A : i32
    %add3A = arith.addi %mul3A_0, %arg0 : i32
    "tpu.region"() ({
      %run_scoped3A = tpu.sem_alloc : memref<!tpu.dma_semaphore, #tpu.memory_space<semaphore_mem>>
      %dma_start3A_229 = arith.constant 0 : i32
      %dma_start3A_230 = arith.constant 0 : i32
      %dma_start3A_231 = tpu.memref_slice %arg3[%add3A, %dma_start3A_229, %dma_start3A_230] : memref<32x5x128xi32, #tpu.memory_space<hbm>> -> memref<1x5x128xi32, #tpu.memory_space<hbm>>
      %dma_start3A_232 = tpu.memref_squeeze %dma_start3A_231 : memref<1x5x128xi32, #tpu.memory_space<hbm>> -> memref<5x128xi32, #tpu.memory_space<hbm>>
      %dma_start3A_233 = arith.constant 0 : i32
      %dma_start3A_234 = arith.constant 0 : i32
      %dma_start3A_235 = tpu.memref_slice %arg3[%add3A, %dma_start3A_233, %dma_start3A_234] : memref<32x5x128xi32, #tpu.memory_space<hbm>> -> memref<1x5x128xi32, #tpu.memory_space<hbm>>
      %dma_start3A_236 = tpu.memref_squeeze %dma_start3A_235 : memref<1x5x128xi32, #tpu.memory_space<hbm>> -> memref<5x128xi32, #tpu.memory_space<hbm>>
      tpu.enqueue_dma source(%dma_start3A_236 : memref<5x128xi32, #tpu.memory_space<hbm>>) target(%arg7 : memref<5x128xi32, #tpu.memory_space<vmem>>) target_semaphore(%run_scoped3A : memref<!tpu.dma_semaphore, #tpu.memory_space<semaphore_mem>>)
      %dma_wait3A_237 = arith.constant 0 : i32
      %dma_wait3A_238 = arith.constant 0 : i32
      %dma_wait3A_239 = tpu.memref_slice %arg3[%add3A, %dma_wait3A_237, %dma_wait3A_238] : memref<32x5x128xi32, #tpu.memory_space<hbm>> -> memref<1x5x128xi32, #tpu.memory_space<hbm>>
      %dma_wait3A_240 = tpu.memref_squeeze %dma_wait3A_239 : memref<1x5x128xi32, #tpu.memory_space<hbm>> -> memref<5x128xi32, #tpu.memory_space<hbm>>
      %dma_wait3A_241 = arith.constant 0 : i32
      %dma_wait3A_242 = arith.constant 0 : i32
      %dma_wait3A_243 = tpu.memref_slice %arg3[%add3A, %dma_wait3A_241, %dma_wait3A_242] : memref<32x5x128xi32, #tpu.memory_space<hbm>> -> memref<1x5x128xi32, #tpu.memory_space<hbm>>
      %dma_wait3A_244 = tpu.memref_squeeze %dma_wait3A_243 : memref<1x5x128xi32, #tpu.memory_space<hbm>> -> memref<5x128xi32, #tpu.memory_space<hbm>>
      tpu.wait_dma2 semaphore(%run_scoped3A : memref<!tpu.dma_semaphore, #tpu.memory_space<semaphore_mem>>) src(%dma_wait3A_244 : memref<5x128xi32, #tpu.memory_space<hbm>>) dst(%arg7 : memref<5x128xi32, #tpu.memory_space<vmem>>)
      tpu.yield
    }) : () -> ()
    "tpu.region"() ({
      %run_scoped3A = tpu.sem_alloc : memref<!tpu.dma_semaphore, #tpu.memory_space<semaphore_mem>>
      %dma_start3A_229 = arith.constant 0 : i32
      %dma_start3A_230 = arith.constant 0 : i32
      %dma_start3A_231 = tpu.memref_slice %arg4[%add3A, %dma_start3A_229, %dma_start3A_230] : memref<32x5x128xi32, #tpu.memory_space<hbm>> -> memref<1x5x128xi32, #tpu.memory_space<hbm>>
      %dma_start3A_232 = tpu.memref_squeeze %dma_start3A_231 : memref<1x5x128xi32, #tpu.memory_space<hbm>> -> memref<5x128xi32, #tpu.memory_space<hbm>>
      %dma_start3A_233 = arith.constant 0 : i32
      %dma_start3A_234 = arith.constant 0 : i32
      %dma_start3A_235 = tpu.memref_slice %arg4[%add3A, %dma_start3A_233, %dma_start3A_234] : memref<32x5x128xi32, #tpu.memory_space<hbm>> -> memref<1x5x128xi32, #tpu.memory_space<hbm>>
      %dma_start3A_236 = tpu.memref_squeeze %dma_start3A_235 : memref<1x5x128xi32, #tpu.memory_space<hbm>> -> memref<5x128xi32, #tpu.memory_space<hbm>>
      tpu.enqueue_dma source(%dma_start3A_236 : memref<5x128xi32, #tpu.memory_space<hbm>>) target(%arg8 : memref<5x128xi32, #tpu.memory_space<vmem>>) target_semaphore(%run_scoped3A : memref<!tpu.dma_semaphore, #tpu.memory_space<semaphore_mem>>)
      %dma_wait3A_237 = arith.constant 0 : i32
      %dma_wait3A_238 = arith.constant 0 : i32
      %dma_wait3A_239 = tpu.memref_slice %arg4[%add3A, %dma_wait3A_237, %dma_wait3A_238] : memref<32x5x128xi32, #tpu.memory_space<hbm>> -> memref<1x5x128xi32, #tpu.memory_space<hbm>>
      %dma_wait3A_240 = tpu.memref_squeeze %dma_wait3A_239 : memref<1x5x128xi32, #tpu.memory_space<hbm>> -> memref<5x128xi32, #tpu.memory_space<hbm>>
      %dma_wait3A_241 = arith.constant 0 : i32
      %dma_wait3A_242 = arith.constant 0 : i32
      %dma_wait3A_243 = tpu.memref_slice %arg4[%add3A, %dma_wait3A_241, %dma_wait3A_242] : memref<32x5x128xi32, #tpu.memory_space<hbm>> -> memref<1x5x128xi32, #tpu.memory_space<hbm>>
      %dma_wait3A_244 = tpu.memref_squeeze %dma_wait3A_243 : memref<1x5x128xi32, #tpu.memory_space<hbm>> -> memref<5x128xi32, #tpu.memory_space<hbm>>
      tpu.wait_dma2 semaphore(%run_scoped3A : memref<!tpu.dma_semaphore, #tpu.memory_space<semaphore_mem>>) src(%dma_wait3A_244 : memref<5x128xi32, #tpu.memory_space<hbm>>) dst(%arg8 : memref<5x128xi32, #tpu.memory_space<vmem>>)
      tpu.yield
    }) : () -> ()
    "tpu.region"() ({
      %run_scoped3A = tpu.sem_alloc : memref<!tpu.dma_semaphore, #tpu.memory_space<semaphore_mem>>
      %dma_start3A_229 = arith.constant 0 : i32
      %dma_start3A_230 = arith.constant 0 : i32
      %dma_start3A_231 = tpu.memref_slice %arg5[%add3A, %dma_start3A_229, %dma_start3A_230] : memref<32x5x128xi32, #tpu.memory_space<hbm>> -> memref<1x5x128xi32, #tpu.memory_space<hbm>>
      %dma_start3A_232 = tpu.memref_squeeze %dma_start3A_231 : memref<1x5x128xi32, #tpu.memory_space<hbm>> -> memref<5x128xi32, #tpu.memory_space<hbm>>
      %dma_start3A_233 = arith.constant 0 : i32
      %dma_start3A_234 = arith.constant 0 : i32
      %dma_start3A_235 = tpu.memref_slice %arg5[%add3A, %dma_start3A_233, %dma_start3A_234] : memref<32x5x128xi32, #tpu.memory_space<hbm>> -> memref<1x5x128xi32, #tpu.memory_space<hbm>>
      %dma_start3A_236 = tpu.memref_squeeze %dma_start3A_235 : memref<1x5x128xi32, #tpu.memory_space<hbm>> -> memref<5x128xi32, #tpu.memory_space<hbm>>
      tpu.enqueue_dma source(%dma_start3A_236 : memref<5x128xi32, #tpu.memory_space<hbm>>) target(%arg9 : memref<5x128xi32, #tpu.memory_space<vmem>>) target_semaphore(%run_scoped3A : memref<!tpu.dma_semaphore, #tpu.memory_space<semaphore_mem>>)
      %dma_wait3A_237 = arith.constant 0 : i32
      %dma_wait3A_238 = arith.constant 0 : i32
      %dma_wait3A_239 = tpu.memref_slice %arg5[%add3A, %dma_wait3A_237, %dma_wait3A_238] : memref<32x5x128xi32, #tpu.memory_space<hbm>> -> memref<1x5x128xi32, #tpu.memory_space<hbm>>
      %dma_wait3A_240 = tpu.memref_squeeze %dma_wait3A_239 : memref<1x5x128xi32, #tpu.memory_space<hbm>> -> memref<5x128xi32, #tpu.memory_space<hbm>>
      %dma_wait3A_241 = arith.constant 0 : i32
      %dma_wait3A_242 = arith.constant 0 : i32
      %dma_wait3A_243 = tpu.memref_slice %arg5[%add3A, %dma_wait3A_241, %dma_wait3A_242] : memref<32x5x128xi32, #tpu.memory_space<hbm>> -> memref<1x5x128xi32, #tpu.memory_space<hbm>>
      %dma_wait3A_244 = tpu.memref_squeeze %dma_wait3A_243 : memref<1x5x128xi32, #tpu.memory_space<hbm>> -> memref<5x128xi32, #tpu.memory_space<hbm>>
      tpu.wait_dma2 semaphore(%run_scoped3A : memref<!tpu.dma_semaphore, #tpu.memory_space<semaphore_mem>>) src(%dma_wait3A_244 : memref<5x128xi32, #tpu.memory_space<hbm>>) dst(%arg9 : memref<5x128xi32, #tpu.memory_space<vmem>>)
      tpu.yield
    }) : () -> ()
    %dma_start3A = arith.constant 0 : i32
    %dma_start3A_1 = arith.constant 0 : i32
    %dma_start3A_2 = tpu.memref_slice %arg7[%dma_start3A, %dma_start3A_1] : memref<5x128xi32, #tpu.memory_space<vmem>> -> memref<1x128xi32, #tpu.memory_space<vmem>>
    %dma_start3A_3 = tpu.memref_squeeze %dma_start3A_2 : memref<1x128xi32, #tpu.memory_space<vmem>> -> memref<128xi32, #tpu.memory_space<vmem>>
    %dma_start3A_4 = arith.constant 0 : i32
    %dma_start3A_5 = arith.constant 0 : i32
    %dma_start3A_6 = tpu.memref_slice %arg2[%dma_start3A_4, %dma_start3A_5] : memref<100000x128xf32, #tpu.memory_space<hbm>> -> memref<100000x128xf32, #tpu.memory_space<hbm>>
    tpu.enqueue_indirect_dma source(%dma_start3A_6 : memref<100000x128xf32, #tpu.memory_space<hbm>>) target(%arg10 : memref<128x128xf32, #tpu.memory_space<vmem>>) offsets(%dma_start3A_3 : memref<128xi32, #tpu.memory_space<vmem>>) semaphore(%arg12 : memref<!tpu.dma_semaphore, #tpu.memory_space<semaphore_mem>>)
    %dma_wait3A = arith.constant 0 : i32
    %dma_wait3A_7 = arith.constant 0 : i32
    %dma_wait3A_8 = tpu.memref_slice %arg7[%dma_wait3A, %dma_wait3A_7] : memref<5x128xi32, #tpu.memory_space<vmem>> -> memref<1x128xi32, #tpu.memory_space<vmem>>
    %dma_wait3A_9 = tpu.memref_squeeze %dma_wait3A_8 : memref<1x128xi32, #tpu.memory_space<vmem>> -> memref<128xi32, #tpu.memory_space<vmem>>
    %dma_wait3A_10 = arith.constant 0 : i32
    %dma_wait3A_11 = arith.constant 0 : i32
    %dma_wait3A_12 = tpu.memref_slice %arg2[%dma_wait3A_10, %dma_wait3A_11] : memref<100000x128xf32, #tpu.memory_space<hbm>> -> memref<100000x128xf32, #tpu.memory_space<hbm>>
    tpu.wait_indirect_dma semaphore(%arg12 : memref<!tpu.dma_semaphore, #tpu.memory_space<semaphore_mem>>) src(%dma_wait3A_12 : memref<100000x128xf32, #tpu.memory_space<hbm>>) dst(%arg10 : memref<128x128xf32, #tpu.memory_space<vmem>>)
    %dma_start3A_13 = arith.constant 0 : i32
    %dma_start3A_14 = arith.constant 0 : i32
    %dma_start3A_15 = tpu.memref_slice %arg8[%dma_start3A_13, %dma_start3A_14] : memref<5x128xi32, #tpu.memory_space<vmem>> -> memref<1x128xi32, #tpu.memory_space<vmem>>
    %dma_start3A_16 = tpu.memref_squeeze %dma_start3A_15 : memref<1x128xi32, #tpu.memory_space<vmem>> -> memref<128xi32, #tpu.memory_space<vmem>>
    %dma_start3A_17 = arith.constant 0 : i32
    %dma_start3A_18 = arith.constant 0 : i32
    %dma_start3A_19 = tpu.memref_slice %arg2[%dma_start3A_17, %dma_start3A_18] : memref<100000x128xf32, #tpu.memory_space<hbm>> -> memref<100000x128xf32, #tpu.memory_space<hbm>>
    tpu.enqueue_indirect_dma source(%dma_start3A_19 : memref<100000x128xf32, #tpu.memory_space<hbm>>) target(%arg10 : memref<128x128xf32, #tpu.memory_space<vmem>>) offsets(%dma_start3A_16 : memref<128xi32, #tpu.memory_space<vmem>>) semaphore(%arg12 : memref<!tpu.dma_semaphore, #tpu.memory_space<semaphore_mem>>) {add = true}
    %dma_start3A_20 = arith.constant 0 : i32
    %dma_start3A_21 = arith.constant 0 : i32
    %dma_start3A_22 = tpu.memref_slice %arg9[%dma_start3A_20, %dma_start3A_21] : memref<5x128xi32, #tpu.memory_space<vmem>> -> memref<1x128xi32, #tpu.memory_space<vmem>>
    %dma_start3A_23 = tpu.memref_squeeze %dma_start3A_22 : memref<1x128xi32, #tpu.memory_space<vmem>> -> memref<128xi32, #tpu.memory_space<vmem>>
    %dma_start3A_24 = arith.constant 0 : i32
    %dma_start3A_25 = arith.constant 0 : i32
    %dma_start3A_26 = tpu.memref_slice %arg2[%dma_start3A_24, %dma_start3A_25] : memref<100000x128xf32, #tpu.memory_space<hbm>> -> memref<100000x128xf32, #tpu.memory_space<hbm>>
    tpu.enqueue_indirect_dma source(%dma_start3A_26 : memref<100000x128xf32, #tpu.memory_space<hbm>>) target(%arg10 : memref<128x128xf32, #tpu.memory_space<vmem>>) offsets(%dma_start3A_23 : memref<128xi32, #tpu.memory_space<vmem>>) semaphore(%arg12 : memref<!tpu.dma_semaphore, #tpu.memory_space<semaphore_mem>>) {add = true}
    %dma_start3A_27 = arith.constant 1 : i32
    %dma_start3A_28 = arith.constant 0 : i32
    %dma_start3A_29 = tpu.memref_slice %arg7[%dma_start3A_27, %dma_start3A_28] : memref<5x128xi32, #tpu.memory_space<vmem>> -> memref<1x128xi32, #tpu.memory_space<vmem>>
    %dma_start3A_30 = tpu.memref_squeeze %dma_start3A_29 : memref<1x128xi32, #tpu.memory_space<vmem>> -> memref<128xi32, #tpu.memory_space<vmem>>
    %dma_start3A_31 = arith.constant 0 : i32
    %dma_start3A_32 = arith.constant 0 : i32
    %dma_start3A_33 = tpu.memref_slice %arg2[%dma_start3A_31, %dma_start3A_32] : memref<100000x128xf32, #tpu.memory_space<hbm>> -> memref<100000x128xf32, #tpu.memory_space<hbm>>
    tpu.enqueue_indirect_dma source(%dma_start3A_33 : memref<100000x128xf32, #tpu.memory_space<hbm>>) target(%arg11 : memref<128x128xf32, #tpu.memory_space<vmem>>) offsets(%dma_start3A_30 : memref<128xi32, #tpu.memory_space<vmem>>) semaphore(%arg13 : memref<!tpu.dma_semaphore, #tpu.memory_space<semaphore_mem>>)
    %dma_wait3A_34 = arith.constant 1 : i32
    %dma_wait3A_35 = arith.constant 0 : i32
    %dma_wait3A_36 = tpu.memref_slice %arg7[%dma_wait3A_34, %dma_wait3A_35] : memref<5x128xi32, #tpu.memory_space<vmem>> -> memref<1x128xi32, #tpu.memory_space<vmem>>
    %dma_wait3A_37 = tpu.memref_squeeze %dma_wait3A_36 : memref<1x128xi32, #tpu.memory_space<vmem>> -> memref<128xi32, #tpu.memory_space<vmem>>
    %dma_wait3A_38 = arith.constant 0 : i32
    %dma_wait3A_39 = arith.constant 0 : i32
    %dma_wait3A_40 = tpu.memref_slice %arg2[%dma_wait3A_38, %dma_wait3A_39] : memref<100000x128xf32, #tpu.memory_space<hbm>> -> memref<100000x128xf32, #tpu.memory_space<hbm>>
    tpu.wait_indirect_dma semaphore(%arg13 : memref<!tpu.dma_semaphore, #tpu.memory_space<semaphore_mem>>) src(%dma_wait3A_40 : memref<100000x128xf32, #tpu.memory_space<hbm>>) dst(%arg11 : memref<128x128xf32, #tpu.memory_space<vmem>>)
    %dma_start3A_41 = arith.constant 1 : i32
    %dma_start3A_42 = arith.constant 0 : i32
    %dma_start3A_43 = tpu.memref_slice %arg8[%dma_start3A_41, %dma_start3A_42] : memref<5x128xi32, #tpu.memory_space<vmem>> -> memref<1x128xi32, #tpu.memory_space<vmem>>
    %dma_start3A_44 = tpu.memref_squeeze %dma_start3A_43 : memref<1x128xi32, #tpu.memory_space<vmem>> -> memref<128xi32, #tpu.memory_space<vmem>>
    %dma_start3A_45 = arith.constant 0 : i32
    %dma_start3A_46 = arith.constant 0 : i32
    %dma_start3A_47 = tpu.memref_slice %arg2[%dma_start3A_45, %dma_start3A_46] : memref<100000x128xf32, #tpu.memory_space<hbm>> -> memref<100000x128xf32, #tpu.memory_space<hbm>>
    tpu.enqueue_indirect_dma source(%dma_start3A_47 : memref<100000x128xf32, #tpu.memory_space<hbm>>) target(%arg11 : memref<128x128xf32, #tpu.memory_space<vmem>>) offsets(%dma_start3A_44 : memref<128xi32, #tpu.memory_space<vmem>>) semaphore(%arg13 : memref<!tpu.dma_semaphore, #tpu.memory_space<semaphore_mem>>) {add = true}
    %dma_start3A_48 = arith.constant 1 : i32
    %dma_start3A_49 = arith.constant 0 : i32
    %dma_start3A_50 = tpu.memref_slice %arg9[%dma_start3A_48, %dma_start3A_49] : memref<5x128xi32, #tpu.memory_space<vmem>> -> memref<1x128xi32, #tpu.memory_space<vmem>>
    %dma_start3A_51 = tpu.memref_squeeze %dma_start3A_50 : memref<1x128xi32, #tpu.memory_space<vmem>> -> memref<128xi32, #tpu.memory_space<vmem>>
    %dma_start3A_52 = arith.constant 0 : i32
    %dma_start3A_53 = arith.constant 0 : i32
    %dma_start3A_54 = tpu.memref_slice %arg2[%dma_start3A_52, %dma_start3A_53] : memref<100000x128xf32, #tpu.memory_space<hbm>> -> memref<100000x128xf32, #tpu.memory_space<hbm>>
    tpu.enqueue_indirect_dma source(%dma_start3A_54 : memref<100000x128xf32, #tpu.memory_space<hbm>>) target(%arg11 : memref<128x128xf32, #tpu.memory_space<vmem>>) offsets(%dma_start3A_51 : memref<128xi32, #tpu.memory_space<vmem>>) semaphore(%arg13 : memref<!tpu.dma_semaphore, #tpu.memory_space<semaphore_mem>>) {add = true}
    %dma_wait3A_55 = arith.constant 0 : i32
    %dma_wait3A_56 = arith.constant 0 : i32
    %dma_wait3A_57 = tpu.memref_slice %arg8[%dma_wait3A_55, %dma_wait3A_56] : memref<5x128xi32, #tpu.memory_space<vmem>> -> memref<1x128xi32, #tpu.memory_space<vmem>>
    %dma_wait3A_58 = tpu.memref_squeeze %dma_wait3A_57 : memref<1x128xi32, #tpu.memory_space<vmem>> -> memref<128xi32, #tpu.memory_space<vmem>>
    %dma_wait3A_59 = arith.constant 0 : i32
    %dma_wait3A_60 = arith.constant 0 : i32
    %dma_wait3A_61 = tpu.memref_slice %arg2[%dma_wait3A_59, %dma_wait3A_60] : memref<100000x128xf32, #tpu.memory_space<hbm>> -> memref<100000x128xf32, #tpu.memory_space<hbm>>
    tpu.wait_indirect_dma semaphore(%arg12 : memref<!tpu.dma_semaphore, #tpu.memory_space<semaphore_mem>>) src(%dma_wait3A_61 : memref<100000x128xf32, #tpu.memory_space<hbm>>) dst(%arg10 : memref<128x128xf32, #tpu.memory_space<vmem>>)
    %dma_wait3A_62 = arith.constant 0 : i32
    %dma_wait3A_63 = arith.constant 0 : i32
    %dma_wait3A_64 = tpu.memref_slice %arg9[%dma_wait3A_62, %dma_wait3A_63] : memref<5x128xi32, #tpu.memory_space<vmem>> -> memref<1x128xi32, #tpu.memory_space<vmem>>
    %dma_wait3A_65 = tpu.memref_squeeze %dma_wait3A_64 : memref<1x128xi32, #tpu.memory_space<vmem>> -> memref<128xi32, #tpu.memory_space<vmem>>
    %dma_wait3A_66 = arith.constant 0 : i32
    %dma_wait3A_67 = arith.constant 0 : i32
    %dma_wait3A_68 = tpu.memref_slice %arg2[%dma_wait3A_66, %dma_wait3A_67] : memref<100000x128xf32, #tpu.memory_space<hbm>> -> memref<100000x128xf32, #tpu.memory_space<hbm>>
    tpu.wait_indirect_dma semaphore(%arg12 : memref<!tpu.dma_semaphore, #tpu.memory_space<semaphore_mem>>) src(%dma_wait3A_68 : memref<100000x128xf32, #tpu.memory_space<hbm>>) dst(%arg10 : memref<128x128xf32, #tpu.memory_space<vmem>>)
    %mul3A_69 = arith.constant 640 : i32
    %mul3A_70 = arith.muli %add3A, %mul3A_69 : i32
    %add3A_71 = arith.constant 0 : i32
    %add3A_72 = arith.addi %mul3A_70, %add3A_71 : i32
    "tpu.region"() ({
      %run_scoped3A = tpu.sem_alloc : memref<!tpu.dma_semaphore, #tpu.memory_space<semaphore_mem>>
      %dma_start3A_229 = arith.constant 0 : i32
      %dma_start3A_230 = tpu.memref_slice %arg6[%add3A_72, %dma_start3A_229] : memref<20480x128xf32, #tpu.memory_space<hbm>> -> memref<128x128xf32, #tpu.memory_space<hbm>>
      %dma_start3A_231 = arith.constant 0 : i32
      %dma_start3A_232 = tpu.memref_slice %arg6[%add3A_72, %dma_start3A_231] : memref<20480x128xf32, #tpu.memory_space<hbm>> -> memref<128x128xf32, #tpu.memory_space<hbm>>
      tpu.enqueue_dma source(%arg10 : memref<128x128xf32, #tpu.memory_space<vmem>>) target(%dma_start3A_232 : memref<128x128xf32, #tpu.memory_space<hbm>>) target_semaphore(%run_scoped3A : memref<!tpu.dma_semaphore, #tpu.memory_space<semaphore_mem>>)
      %dma_wait3A_233 = arith.constant 0 : i32
      %dma_wait3A_234 = tpu.memref_slice %arg6[%add3A_72, %dma_wait3A_233] : memref<20480x128xf32, #tpu.memory_space<hbm>> -> memref<128x128xf32, #tpu.memory_space<hbm>>
      %dma_wait3A_235 = arith.constant 0 : i32
      %dma_wait3A_236 = tpu.memref_slice %arg6[%add3A_72, %dma_wait3A_235] : memref<20480x128xf32, #tpu.memory_space<hbm>> -> memref<128x128xf32, #tpu.memory_space<hbm>>
      tpu.wait_dma2 semaphore(%run_scoped3A : memref<!tpu.dma_semaphore, #tpu.memory_space<semaphore_mem>>) src(%arg10 : memref<128x128xf32, #tpu.memory_space<vmem>>) dst(%dma_wait3A_236 : memref<128x128xf32, #tpu.memory_space<hbm>>)
      tpu.yield
    }) : () -> ()
    %dma_start3A_73 = arith.constant 2 : i32
    %dma_start3A_74 = arith.constant 0 : i32
    %dma_start3A_75 = tpu.memref_slice %arg7[%dma_start3A_73, %dma_start3A_74] : memref<5x128xi32, #tpu.memory_space<vmem>> -> memref<1x128xi32, #tpu.memory_space<vmem>>
    %dma_start3A_76 = tpu.memref_squeeze %dma_start3A_75 : memref<1x128xi32, #tpu.memory_space<vmem>> -> memref<128xi32, #tpu.memory_space<vmem>>
    %dma_start3A_77 = arith.constant 0 : i32
    %dma_start3A_78 = arith.constant 0 : i32
    %dma_start3A_79 = tpu.memref_slice %arg2[%dma_start3A_77, %dma_start3A_78] : memref<100000x128xf32, #tpu.memory_space<hbm>> -> memref<100000x128xf32, #tpu.memory_space<hbm>>
    tpu.enqueue_indirect_dma source(%dma_start3A_79 : memref<100000x128xf32, #tpu.memory_space<hbm>>) target(%arg10 : memref<128x128xf32, #tpu.memory_space<vmem>>) offsets(%dma_start3A_76 : memref<128xi32, #tpu.memory_space<vmem>>) semaphore(%arg12 : memref<!tpu.dma_semaphore, #tpu.memory_space<semaphore_mem>>)
    %dma_wait3A_80 = arith.constant 2 : i32
    %dma_wait3A_81 = arith.constant 0 : i32
    %dma_wait3A_82 = tpu.memref_slice %arg7[%dma_wait3A_80, %dma_wait3A_81] : memref<5x128xi32, #tpu.memory_space<vmem>> -> memref<1x128xi32, #tpu.memory_space<vmem>>
    %dma_wait3A_83 = tpu.memref_squeeze %dma_wait3A_82 : memref<1x128xi32, #tpu.memory_space<vmem>> -> memref<128xi32, #tpu.memory_space<vmem>>
    %dma_wait3A_84 = arith.constant 0 : i32
    %dma_wait3A_85 = arith.constant 0 : i32
    %dma_wait3A_86 = tpu.memref_slice %arg2[%dma_wait3A_84, %dma_wait3A_85] : memref<100000x128xf32, #tpu.memory_space<hbm>> -> memref<100000x128xf32, #tpu.memory_space<hbm>>
    tpu.wait_indirect_dma semaphore(%arg12 : memref<!tpu.dma_semaphore, #tpu.memory_space<semaphore_mem>>) src(%dma_wait3A_86 : memref<100000x128xf32, #tpu.memory_space<hbm>>) dst(%arg10 : memref<128x128xf32, #tpu.memory_space<vmem>>)
    %dma_start3A_87 = arith.constant 2 : i32
    %dma_start3A_88 = arith.constant 0 : i32
    %dma_start3A_89 = tpu.memref_slice %arg8[%dma_start3A_87, %dma_start3A_88] : memref<5x128xi32, #tpu.memory_space<vmem>> -> memref<1x128xi32, #tpu.memory_space<vmem>>
    %dma_start3A_90 = tpu.memref_squeeze %dma_start3A_89 : memref<1x128xi32, #tpu.memory_space<vmem>> -> memref<128xi32, #tpu.memory_space<vmem>>
    %dma_start3A_91 = arith.constant 0 : i32
    %dma_start3A_92 = arith.constant 0 : i32
    %dma_start3A_93 = tpu.memref_slice %arg2[%dma_start3A_91, %dma_start3A_92] : memref<100000x128xf32, #tpu.memory_space<hbm>> -> memref<100000x128xf32, #tpu.memory_space<hbm>>
    tpu.enqueue_indirect_dma source(%dma_start3A_93 : memref<100000x128xf32, #tpu.memory_space<hbm>>) target(%arg10 : memref<128x128xf32, #tpu.memory_space<vmem>>) offsets(%dma_start3A_90 : memref<128xi32, #tpu.memory_space<vmem>>) semaphore(%arg12 : memref<!tpu.dma_semaphore, #tpu.memory_space<semaphore_mem>>) {add = true}
    %dma_start3A_94 = arith.constant 2 : i32
    %dma_start3A_95 = arith.constant 0 : i32
    %dma_start3A_96 = tpu.memref_slice %arg9[%dma_start3A_94, %dma_start3A_95] : memref<5x128xi32, #tpu.memory_space<vmem>> -> memref<1x128xi32, #tpu.memory_space<vmem>>
    %dma_start3A_97 = tpu.memref_squeeze %dma_start3A_96 : memref<1x128xi32, #tpu.memory_space<vmem>> -> memref<128xi32, #tpu.memory_space<vmem>>
    %dma_start3A_98 = arith.constant 0 : i32
    %dma_start3A_99 = arith.constant 0 : i32
    %dma_start3A_100 = tpu.memref_slice %arg2[%dma_start3A_98, %dma_start3A_99] : memref<100000x128xf32, #tpu.memory_space<hbm>> -> memref<100000x128xf32, #tpu.memory_space<hbm>>
    tpu.enqueue_indirect_dma source(%dma_start3A_100 : memref<100000x128xf32, #tpu.memory_space<hbm>>) target(%arg10 : memref<128x128xf32, #tpu.memory_space<vmem>>) offsets(%dma_start3A_97 : memref<128xi32, #tpu.memory_space<vmem>>) semaphore(%arg12 : memref<!tpu.dma_semaphore, #tpu.memory_space<semaphore_mem>>) {add = true}
    %dma_wait3A_101 = arith.constant 1 : i32
    %dma_wait3A_102 = arith.constant 0 : i32
    %dma_wait3A_103 = tpu.memref_slice %arg8[%dma_wait3A_101, %dma_wait3A_102] : memref<5x128xi32, #tpu.memory_space<vmem>> -> memref<1x128xi32, #tpu.memory_space<vmem>>
    %dma_wait3A_104 = tpu.memref_squeeze %dma_wait3A_103 : memref<1x128xi32, #tpu.memory_space<vmem>> -> memref<128xi32, #tpu.memory_space<vmem>>
    %dma_wait3A_105 = arith.constant 0 : i32
    %dma_wait3A_106 = arith.constant 0 : i32
    %dma_wait3A_107 = tpu.memref_slice %arg2[%dma_wait3A_105, %dma_wait3A_106] : memref<100000x128xf32, #tpu.memory_space<hbm>> -> memref<100000x128xf32, #tpu.memory_space<hbm>>
    tpu.wait_indirect_dma semaphore(%arg13 : memref<!tpu.dma_semaphore, #tpu.memory_space<semaphore_mem>>) src(%dma_wait3A_107 : memref<100000x128xf32, #tpu.memory_space<hbm>>) dst(%arg11 : memref<128x128xf32, #tpu.memory_space<vmem>>)
    %dma_wait3A_108 = arith.constant 1 : i32
    %dma_wait3A_109 = arith.constant 0 : i32
    %dma_wait3A_110 = tpu.memref_slice %arg9[%dma_wait3A_108, %dma_wait3A_109] : memref<5x128xi32, #tpu.memory_space<vmem>> -> memref<1x128xi32, #tpu.memory_space<vmem>>
    %dma_wait3A_111 = tpu.memref_squeeze %dma_wait3A_110 : memref<1x128xi32, #tpu.memory_space<vmem>> -> memref<128xi32, #tpu.memory_space<vmem>>
    %dma_wait3A_112 = arith.constant 0 : i32
    %dma_wait3A_113 = arith.constant 0 : i32
    %dma_wait3A_114 = tpu.memref_slice %arg2[%dma_wait3A_112, %dma_wait3A_113] : memref<100000x128xf32, #tpu.memory_space<hbm>> -> memref<100000x128xf32, #tpu.memory_space<hbm>>
    tpu.wait_indirect_dma semaphore(%arg13 : memref<!tpu.dma_semaphore, #tpu.memory_space<semaphore_mem>>) src(%dma_wait3A_114 : memref<100000x128xf32, #tpu.memory_space<hbm>>) dst(%arg11 : memref<128x128xf32, #tpu.memory_space<vmem>>)
    %mul3A_115 = arith.constant 640 : i32
    %mul3A_116 = arith.muli %add3A, %mul3A_115 : i32
    %add3A_117 = arith.constant 128 : i32
    %add3A_118 = arith.addi %mul3A_116, %add3A_117 : i32
    "tpu.region"() ({
      %run_scoped3A = tpu.sem_alloc : memref<!tpu.dma_semaphore, #tpu.memory_space<semaphore_mem>>
      %dma_start3A_229 = arith.constant 0 : i32
      %dma_start3A_230 = tpu.memref_slice %arg6[%add3A_118, %dma_start3A_229] : memref<20480x128xf32, #tpu.memory_space<hbm>> -> memref<128x128xf32, #tpu.memory_space<hbm>>
      %dma_start3A_231 = arith.constant 0 : i32
      %dma_start3A_232 = tpu.memref_slice %arg6[%add3A_118, %dma_start3A_231] : memref<20480x128xf32, #tpu.memory_space<hbm>> -> memref<128x128xf32, #tpu.memory_space<hbm>>
      tpu.enqueue_dma source(%arg11 : memref<128x128xf32, #tpu.memory_space<vmem>>) target(%dma_start3A_232 : memref<128x128xf32, #tpu.memory_space<hbm>>) target_semaphore(%run_scoped3A : memref<!tpu.dma_semaphore, #tpu.memory_space<semaphore_mem>>)
      %dma_wait3A_233 = arith.constant 0 : i32
      %dma_wait3A_234 = tpu.memref_slice %arg6[%add3A_118, %dma_wait3A_233] : memref<20480x128xf32, #tpu.memory_space<hbm>> -> memref<128x128xf32, #tpu.memory_space<hbm>>
      %dma_wait3A_235 = arith.constant 0 : i32
      %dma_wait3A_236 = tpu.memref_slice %arg6[%add3A_118, %dma_wait3A_235] : memref<20480x128xf32, #tpu.memory_space<hbm>> -> memref<128x128xf32, #tpu.memory_space<hbm>>
      tpu.wait_dma2 semaphore(%run_scoped3A : memref<!tpu.dma_semaphore, #tpu.memory_space<semaphore_mem>>) src(%arg11 : memref<128x128xf32, #tpu.memory_space<vmem>>) dst(%dma_wait3A_236 : memref<128x128xf32, #tpu.memory_space<hbm>>)
      tpu.yield
    }) : () -> ()
    %dma_start3A_119 = arith.constant 3 : i32
    %dma_start3A_120 = arith.constant 0 : i32
    %dma_start3A_121 = tpu.memref_slice %arg7[%dma_start3A_119, %dma_start3A_120] : memref<5x128xi32, #tpu.memory_space<vmem>> -> memref<1x128xi32, #tpu.memory_space<vmem>>
    %dma_start3A_122 = tpu.memref_squeeze %dma_start3A_121 : memref<1x128xi32, #tpu.memory_space<vmem>> -> memref<128xi32, #tpu.memory_space<vmem>>
    %dma_start3A_123 = arith.constant 0 : i32
    %dma_start3A_124 = arith.constant 0 : i32
    %dma_start3A_125 = tpu.memref_slice %arg2[%dma_start3A_123, %dma_start3A_124] : memref<100000x128xf32, #tpu.memory_space<hbm>> -> memref<100000x128xf32, #tpu.memory_space<hbm>>
    tpu.enqueue_indirect_dma source(%dma_start3A_125 : memref<100000x128xf32, #tpu.memory_space<hbm>>) target(%arg11 : memref<128x128xf32, #tpu.memory_space<vmem>>) offsets(%dma_start3A_122 : memref<128xi32, #tpu.memory_space<vmem>>) semaphore(%arg13 : memref<!tpu.dma_semaphore, #tpu.memory_space<semaphore_mem>>)
    %dma_wait3A_126 = arith.constant 3 : i32
    %dma_wait3A_127 = arith.constant 0 : i32
    %dma_wait3A_128 = tpu.memref_slice %arg7[%dma_wait3A_126, %dma_wait3A_127] : memref<5x128xi32, #tpu.memory_space<vmem>> -> memref<1x128xi32, #tpu.memory_space<vmem>>
    %dma_wait3A_129 = tpu.memref_squeeze %dma_wait3A_128 : memref<1x128xi32, #tpu.memory_space<vmem>> -> memref<128xi32, #tpu.memory_space<vmem>>
    %dma_wait3A_130 = arith.constant 0 : i32
    %dma_wait3A_131 = arith.constant 0 : i32
    %dma_wait3A_132 = tpu.memref_slice %arg2[%dma_wait3A_130, %dma_wait3A_131] : memref<100000x128xf32, #tpu.memory_space<hbm>> -> memref<100000x128xf32, #tpu.memory_space<hbm>>
    tpu.wait_indirect_dma semaphore(%arg13 : memref<!tpu.dma_semaphore, #tpu.memory_space<semaphore_mem>>) src(%dma_wait3A_132 : memref<100000x128xf32, #tpu.memory_space<hbm>>) dst(%arg11 : memref<128x128xf32, #tpu.memory_space<vmem>>)
    %dma_start3A_133 = arith.constant 3 : i32
    %dma_start3A_134 = arith.constant 0 : i32
    %dma_start3A_135 = tpu.memref_slice %arg8[%dma_start3A_133, %dma_start3A_134] : memref<5x128xi32, #tpu.memory_space<vmem>> -> memref<1x128xi32, #tpu.memory_space<vmem>>
    %dma_start3A_136 = tpu.memref_squeeze %dma_start3A_135 : memref<1x128xi32, #tpu.memory_space<vmem>> -> memref<128xi32, #tpu.memory_space<vmem>>
    %dma_start3A_137 = arith.constant 0 : i32
    %dma_start3A_138 = arith.constant 0 : i32
    %dma_start3A_139 = tpu.memref_slice %arg2[%dma_start3A_137, %dma_start3A_138] : memref<100000x128xf32, #tpu.memory_space<hbm>> -> memref<100000x128xf32, #tpu.memory_space<hbm>>
    tpu.enqueue_indirect_dma source(%dma_start3A_139 : memref<100000x128xf32, #tpu.memory_space<hbm>>) target(%arg11 : memref<128x128xf32, #tpu.memory_space<vmem>>) offsets(%dma_start3A_136 : memref<128xi32, #tpu.memory_space<vmem>>) semaphore(%arg13 : memref<!tpu.dma_semaphore, #tpu.memory_space<semaphore_mem>>) {add = true}
    %dma_start3A_140 = arith.constant 3 : i32
    %dma_start3A_141 = arith.constant 0 : i32
    %dma_start3A_142 = tpu.memref_slice %arg9[%dma_start3A_140, %dma_start3A_141] : memref<5x128xi32, #tpu.memory_space<vmem>> -> memref<1x128xi32, #tpu.memory_space<vmem>>
    %dma_start3A_143 = tpu.memref_squeeze %dma_start3A_142 : memref<1x128xi32, #tpu.memory_space<vmem>> -> memref<128xi32, #tpu.memory_space<vmem>>
    %dma_start3A_144 = arith.constant 0 : i32
    %dma_start3A_145 = arith.constant 0 : i32
    %dma_start3A_146 = tpu.memref_slice %arg2[%dma_start3A_144, %dma_start3A_145] : memref<100000x128xf32, #tpu.memory_space<hbm>> -> memref<100000x128xf32, #tpu.memory_space<hbm>>
    tpu.enqueue_indirect_dma source(%dma_start3A_146 : memref<100000x128xf32, #tpu.memory_space<hbm>>) target(%arg11 : memref<128x128xf32, #tpu.memory_space<vmem>>) offsets(%dma_start3A_143 : memref<128xi32, #tpu.memory_space<vmem>>) semaphore(%arg13 : memref<!tpu.dma_semaphore, #tpu.memory_space<semaphore_mem>>) {add = true}
    %dma_wait3A_147 = arith.constant 2 : i32
    %dma_wait3A_148 = arith.constant 0 : i32
    %dma_wait3A_149 = tpu.memref_slice %arg8[%dma_wait3A_147, %dma_wait3A_148] : memref<5x128xi32, #tpu.memory_space<vmem>> -> memref<1x128xi32, #tpu.memory_space<vmem>>
    %dma_wait3A_150 = tpu.memref_squeeze %dma_wait3A_149 : memref<1x128xi32, #tpu.memory_space<vmem>> -> memref<128xi32, #tpu.memory_space<vmem>>
    %dma_wait3A_151 = arith.constant 0 : i32
    %dma_wait3A_152 = arith.constant 0 : i32
    %dma_wait3A_153 = tpu.memref_slice %arg2[%dma_wait3A_151, %dma_wait3A_152] : memref<100000x128xf32, #tpu.memory_space<hbm>> -> memref<100000x128xf32, #tpu.memory_space<hbm>>
    tpu.wait_indirect_dma semaphore(%arg12 : memref<!tpu.dma_semaphore, #tpu.memory_space<semaphore_mem>>) src(%dma_wait3A_153 : memref<100000x128xf32, #tpu.memory_space<hbm>>) dst(%arg10 : memref<128x128xf32, #tpu.memory_space<vmem>>)
    %dma_wait3A_154 = arith.constant 2 : i32
    %dma_wait3A_155 = arith.constant 0 : i32
    %dma_wait3A_156 = tpu.memref_slice %arg9[%dma_wait3A_154, %dma_wait3A_155] : memref<5x128xi32, #tpu.memory_space<vmem>> -> memref<1x128xi32, #tpu.memory_space<vmem>>
    %dma_wait3A_157 = tpu.memref_squeeze %dma_wait3A_156 : memref<1x128xi32, #tpu.memory_space<vmem>> -> memref<128xi32, #tpu.memory_space<vmem>>
    %dma_wait3A_158 = arith.constant 0 : i32
    %dma_wait3A_159 = arith.constant 0 : i32
    %dma_wait3A_160 = tpu.memref_slice %arg2[%dma_wait3A_158, %dma_wait3A_159] : memref<100000x128xf32, #tpu.memory_space<hbm>> -> memref<100000x128xf32, #tpu.memory_space<hbm>>
    tpu.wait_indirect_dma semaphore(%arg12 : memref<!tpu.dma_semaphore, #tpu.memory_space<semaphore_mem>>) src(%dma_wait3A_160 : memref<100000x128xf32, #tpu.memory_space<hbm>>) dst(%arg10 : memref<128x128xf32, #tpu.memory_space<vmem>>)
    %mul3A_161 = arith.constant 640 : i32
    %mul3A_162 = arith.muli %add3A, %mul3A_161 : i32
    %add3A_163 = arith.constant 256 : i32
    %add3A_164 = arith.addi %mul3A_162, %add3A_163 : i32
    "tpu.region"() ({
      %run_scoped3A = tpu.sem_alloc : memref<!tpu.dma_semaphore, #tpu.memory_space<semaphore_mem>>
      %dma_start3A_229 = arith.constant 0 : i32
      %dma_start3A_230 = tpu.memref_slice %arg6[%add3A_164, %dma_start3A_229] : memref<20480x128xf32, #tpu.memory_space<hbm>> -> memref<128x128xf32, #tpu.memory_space<hbm>>
      %dma_start3A_231 = arith.constant 0 : i32
      %dma_start3A_232 = tpu.memref_slice %arg6[%add3A_164, %dma_start3A_231] : memref<20480x128xf32, #tpu.memory_space<hbm>> -> memref<128x128xf32, #tpu.memory_space<hbm>>
      tpu.enqueue_dma source(%arg10 : memref<128x128xf32, #tpu.memory_space<vmem>>) target(%dma_start3A_232 : memref<128x128xf32, #tpu.memory_space<hbm>>) target_semaphore(%run_scoped3A : memref<!tpu.dma_semaphore, #tpu.memory_space<semaphore_mem>>)
      %dma_wait3A_233 = arith.constant 0 : i32
      %dma_wait3A_234 = tpu.memref_slice %arg6[%add3A_164, %dma_wait3A_233] : memref<20480x128xf32, #tpu.memory_space<hbm>> -> memref<128x128xf32, #tpu.memory_space<hbm>>
      %dma_wait3A_235 = arith.constant 0 : i32
      %dma_wait3A_236 = tpu.memref_slice %arg6[%add3A_164, %dma_wait3A_235] : memref<20480x128xf32, #tpu.memory_space<hbm>> -> memref<128x128xf32, #tpu.memory_space<hbm>>
      tpu.wait_dma2 semaphore(%run_scoped3A : memref<!tpu.dma_semaphore, #tpu.memory_space<semaphore_mem>>) src(%arg10 : memref<128x128xf32, #tpu.memory_space<vmem>>) dst(%dma_wait3A_236 : memref<128x128xf32, #tpu.memory_space<hbm>>)
      tpu.yield
    }) : () -> ()
    %dma_start3A_165 = arith.constant 4 : i32
    %dma_start3A_166 = arith.constant 0 : i32
    %dma_start3A_167 = tpu.memref_slice %arg7[%dma_start3A_165, %dma_start3A_166] : memref<5x128xi32, #tpu.memory_space<vmem>> -> memref<1x128xi32, #tpu.memory_space<vmem>>
    %dma_start3A_168 = tpu.memref_squeeze %dma_start3A_167 : memref<1x128xi32, #tpu.memory_space<vmem>> -> memref<128xi32, #tpu.memory_space<vmem>>
    %dma_start3A_169 = arith.constant 0 : i32
    %dma_start3A_170 = arith.constant 0 : i32
    %dma_start3A_171 = tpu.memref_slice %arg2[%dma_start3A_169, %dma_start3A_170] : memref<100000x128xf32, #tpu.memory_space<hbm>> -> memref<100000x128xf32, #tpu.memory_space<hbm>>
    tpu.enqueue_indirect_dma source(%dma_start3A_171 : memref<100000x128xf32, #tpu.memory_space<hbm>>) target(%arg10 : memref<128x128xf32, #tpu.memory_space<vmem>>) offsets(%dma_start3A_168 : memref<128xi32, #tpu.memory_space<vmem>>) semaphore(%arg12 : memref<!tpu.dma_semaphore, #tpu.memory_space<semaphore_mem>>)
    %dma_wait3A_172 = arith.constant 4 : i32
    %dma_wait3A_173 = arith.constant 0 : i32
    %dma_wait3A_174 = tpu.memref_slice %arg7[%dma_wait3A_172, %dma_wait3A_173] : memref<5x128xi32, #tpu.memory_space<vmem>> -> memref<1x128xi32, #tpu.memory_space<vmem>>
    %dma_wait3A_175 = tpu.memref_squeeze %dma_wait3A_174 : memref<1x128xi32, #tpu.memory_space<vmem>> -> memref<128xi32, #tpu.memory_space<vmem>>
    %dma_wait3A_176 = arith.constant 0 : i32
    %dma_wait3A_177 = arith.constant 0 : i32
    %dma_wait3A_178 = tpu.memref_slice %arg2[%dma_wait3A_176, %dma_wait3A_177] : memref<100000x128xf32, #tpu.memory_space<hbm>> -> memref<100000x128xf32, #tpu.memory_space<hbm>>
    tpu.wait_indirect_dma semaphore(%arg12 : memref<!tpu.dma_semaphore, #tpu.memory_space<semaphore_mem>>) src(%dma_wait3A_178 : memref<100000x128xf32, #tpu.memory_space<hbm>>) dst(%arg10 : memref<128x128xf32, #tpu.memory_space<vmem>>)
    %dma_start3A_179 = arith.constant 4 : i32
    %dma_start3A_180 = arith.constant 0 : i32
    %dma_start3A_181 = tpu.memref_slice %arg8[%dma_start3A_179, %dma_start3A_180] : memref<5x128xi32, #tpu.memory_space<vmem>> -> memref<1x128xi32, #tpu.memory_space<vmem>>
    %dma_start3A_182 = tpu.memref_squeeze %dma_start3A_181 : memref<1x128xi32, #tpu.memory_space<vmem>> -> memref<128xi32, #tpu.memory_space<vmem>>
    %dma_start3A_183 = arith.constant 0 : i32
    %dma_start3A_184 = arith.constant 0 : i32
    %dma_start3A_185 = tpu.memref_slice %arg2[%dma_start3A_183, %dma_start3A_184] : memref<100000x128xf32, #tpu.memory_space<hbm>> -> memref<100000x128xf32, #tpu.memory_space<hbm>>
    tpu.enqueue_indirect_dma source(%dma_start3A_185 : memref<100000x128xf32, #tpu.memory_space<hbm>>) target(%arg10 : memref<128x128xf32, #tpu.memory_space<vmem>>) offsets(%dma_start3A_182 : memref<128xi32, #tpu.memory_space<vmem>>) semaphore(%arg12 : memref<!tpu.dma_semaphore, #tpu.memory_space<semaphore_mem>>) {add = true}
    %dma_start3A_186 = arith.constant 4 : i32
    %dma_start3A_187 = arith.constant 0 : i32
    %dma_start3A_188 = tpu.memref_slice %arg9[%dma_start3A_186, %dma_start3A_187] : memref<5x128xi32, #tpu.memory_space<vmem>> -> memref<1x128xi32, #tpu.memory_space<vmem>>
    %dma_start3A_189 = tpu.memref_squeeze %dma_start3A_188 : memref<1x128xi32, #tpu.memory_space<vmem>> -> memref<128xi32, #tpu.memory_space<vmem>>
    %dma_start3A_190 = arith.constant 0 : i32
    %dma_start3A_191 = arith.constant 0 : i32
    %dma_start3A_192 = tpu.memref_slice %arg2[%dma_start3A_190, %dma_start3A_191] : memref<100000x128xf32, #tpu.memory_space<hbm>> -> memref<100000x128xf32, #tpu.memory_space<hbm>>
    tpu.enqueue_indirect_dma source(%dma_start3A_192 : memref<100000x128xf32, #tpu.memory_space<hbm>>) target(%arg10 : memref<128x128xf32, #tpu.memory_space<vmem>>) offsets(%dma_start3A_189 : memref<128xi32, #tpu.memory_space<vmem>>) semaphore(%arg12 : memref<!tpu.dma_semaphore, #tpu.memory_space<semaphore_mem>>) {add = true}
    %dma_wait3A_193 = arith.constant 3 : i32
    %dma_wait3A_194 = arith.constant 0 : i32
    %dma_wait3A_195 = tpu.memref_slice %arg8[%dma_wait3A_193, %dma_wait3A_194] : memref<5x128xi32, #tpu.memory_space<vmem>> -> memref<1x128xi32, #tpu.memory_space<vmem>>
    %dma_wait3A_196 = tpu.memref_squeeze %dma_wait3A_195 : memref<1x128xi32, #tpu.memory_space<vmem>> -> memref<128xi32, #tpu.memory_space<vmem>>
    %dma_wait3A_197 = arith.constant 0 : i32
    %dma_wait3A_198 = arith.constant 0 : i32
    %dma_wait3A_199 = tpu.memref_slice %arg2[%dma_wait3A_197, %dma_wait3A_198] : memref<100000x128xf32, #tpu.memory_space<hbm>> -> memref<100000x128xf32, #tpu.memory_space<hbm>>
    tpu.wait_indirect_dma semaphore(%arg13 : memref<!tpu.dma_semaphore, #tpu.memory_space<semaphore_mem>>) src(%dma_wait3A_199 : memref<100000x128xf32, #tpu.memory_space<hbm>>) dst(%arg11 : memref<128x128xf32, #tpu.memory_space<vmem>>)
    %dma_wait3A_200 = arith.constant 3 : i32
    %dma_wait3A_201 = arith.constant 0 : i32
    %dma_wait3A_202 = tpu.memref_slice %arg9[%dma_wait3A_200, %dma_wait3A_201] : memref<5x128xi32, #tpu.memory_space<vmem>> -> memref<1x128xi32, #tpu.memory_space<vmem>>
    %dma_wait3A_203 = tpu.memref_squeeze %dma_wait3A_202 : memref<1x128xi32, #tpu.memory_space<vmem>> -> memref<128xi32, #tpu.memory_space<vmem>>
    %dma_wait3A_204 = arith.constant 0 : i32
    %dma_wait3A_205 = arith.constant 0 : i32
    %dma_wait3A_206 = tpu.memref_slice %arg2[%dma_wait3A_204, %dma_wait3A_205] : memref<100000x128xf32, #tpu.memory_space<hbm>> -> memref<100000x128xf32, #tpu.memory_space<hbm>>
    tpu.wait_indirect_dma semaphore(%arg13 : memref<!tpu.dma_semaphore, #tpu.memory_space<semaphore_mem>>) src(%dma_wait3A_206 : memref<100000x128xf32, #tpu.memory_space<hbm>>) dst(%arg11 : memref<128x128xf32, #tpu.memory_space<vmem>>)
    %mul3A_207 = arith.constant 640 : i32
    %mul3A_208 = arith.muli %add3A, %mul3A_207 : i32
    %add3A_209 = arith.constant 384 : i32
    %add3A_210 = arith.addi %mul3A_208, %add3A_209 : i32
    "tpu.region"() ({
      %run_scoped3A = tpu.sem_alloc : memref<!tpu.dma_semaphore, #tpu.memory_space<semaphore_mem>>
      %dma_start3A_229 = arith.constant 0 : i32
      %dma_start3A_230 = tpu.memref_slice %arg6[%add3A_210, %dma_start3A_229] : memref<20480x128xf32, #tpu.memory_space<hbm>> -> memref<128x128xf32, #tpu.memory_space<hbm>>
      %dma_start3A_231 = arith.constant 0 : i32
      %dma_start3A_232 = tpu.memref_slice %arg6[%add3A_210, %dma_start3A_231] : memref<20480x128xf32, #tpu.memory_space<hbm>> -> memref<128x128xf32, #tpu.memory_space<hbm>>
      tpu.enqueue_dma source(%arg11 : memref<128x128xf32, #tpu.memory_space<vmem>>) target(%dma_start3A_232 : memref<128x128xf32, #tpu.memory_space<hbm>>) target_semaphore(%run_scoped3A : memref<!tpu.dma_semaphore, #tpu.memory_space<semaphore_mem>>)
      %dma_wait3A_233 = arith.constant 0 : i32
      %dma_wait3A_234 = tpu.memref_slice %arg6[%add3A_210, %dma_wait3A_233] : memref<20480x128xf32, #tpu.memory_space<hbm>> -> memref<128x128xf32, #tpu.memory_space<hbm>>
      %dma_wait3A_235 = arith.constant 0 : i32
      %dma_wait3A_236 = tpu.memref_slice %arg6[%add3A_210, %dma_wait3A_235] : memref<20480x128xf32, #tpu.memory_space<hbm>> -> memref<128x128xf32, #tpu.memory_space<hbm>>
      tpu.wait_dma2 semaphore(%run_scoped3A : memref<!tpu.dma_semaphore, #tpu.memory_space<semaphore_mem>>) src(%arg11 : memref<128x128xf32, #tpu.memory_space<vmem>>) dst(%dma_wait3A_236 : memref<128x128xf32, #tpu.memory_space<hbm>>)
      tpu.yield
    }) : () -> ()
    %dma_wait3A_211 = arith.constant 4 : i32
    %dma_wait3A_212 = arith.constant 0 : i32
    %dma_wait3A_213 = tpu.memref_slice %arg8[%dma_wait3A_211, %dma_wait3A_212] : memref<5x128xi32, #tpu.memory_space<vmem>> -> memref<1x128xi32, #tpu.memory_space<vmem>>
    %dma_wait3A_214 = tpu.memref_squeeze %dma_wait3A_213 : memref<1x128xi32, #tpu.memory_space<vmem>> -> memref<128xi32, #tpu.memory_space<vmem>>
    %dma_wait3A_215 = arith.constant 0 : i32
    %dma_wait3A_216 = arith.constant 0 : i32
    %dma_wait3A_217 = tpu.memref_slice %arg2[%dma_wait3A_215, %dma_wait3A_216] : memref<100000x128xf32, #tpu.memory_space<hbm>> -> memref<100000x128xf32, #tpu.memory_space<hbm>>
    tpu.wait_indirect_dma semaphore(%arg12 : memref<!tpu.dma_semaphore, #tpu.memory_space<semaphore_mem>>) src(%dma_wait3A_217 : memref<100000x128xf32, #tpu.memory_space<hbm>>) dst(%arg10 : memref<128x128xf32, #tpu.memory_space<vmem>>)
    %dma_wait3A_218 = arith.constant 4 : i32
    %dma_wait3A_219 = arith.constant 0 : i32
    %dma_wait3A_220 = tpu.memref_slice %arg9[%dma_wait3A_218, %dma_wait3A_219] : memref<5x128xi32, #tpu.memory_space<vmem>> -> memref<1x128xi32, #tpu.memory_space<vmem>>
    %dma_wait3A_221 = tpu.memref_squeeze %dma_wait3A_220 : memref<1x128xi32, #tpu.memory_space<vmem>> -> memref<128xi32, #tpu.memory_space<vmem>>
    %dma_wait3A_222 = arith.constant 0 : i32
    %dma_wait3A_223 = arith.constant 0 : i32
    %dma_wait3A_224 = tpu.memref_slice %arg2[%dma_wait3A_222, %dma_wait3A_223] : memref<100000x128xf32, #tpu.memory_space<hbm>> -> memref<100000x128xf32, #tpu.memory_space<hbm>>
    tpu.wait_indirect_dma semaphore(%arg12 : memref<!tpu.dma_semaphore, #tpu.memory_space<semaphore_mem>>) src(%dma_wait3A_224 : memref<100000x128xf32, #tpu.memory_space<hbm>>) dst(%arg10 : memref<128x128xf32, #tpu.memory_space<vmem>>)
    %mul3A_225 = arith.constant 640 : i32
    %mul3A_226 = arith.muli %add3A, %mul3A_225 : i32
    %add3A_227 = arith.constant 512 : i32
    %add3A_228 = arith.addi %mul3A_226, %add3A_227 : i32
    "tpu.region"() ({
      %run_scoped3A = tpu.sem_alloc : memref<!tpu.dma_semaphore, #tpu.memory_space<semaphore_mem>>
      %dma_start3A_229 = arith.constant 0 : i32
      %dma_start3A_230 = tpu.memref_slice %arg6[%add3A_228, %dma_start3A_229] : memref<20480x128xf32, #tpu.memory_space<hbm>> -> memref<128x128xf32, #tpu.memory_space<hbm>>
      %dma_start3A_231 = arith.constant 0 : i32
      %dma_start3A_232 = tpu.memref_slice %arg6[%add3A_228, %dma_start3A_231] : memref<20480x128xf32, #tpu.memory_space<hbm>> -> memref<128x128xf32, #tpu.memory_space<hbm>>
      tpu.enqueue_dma source(%arg10 : memref<128x128xf32, #tpu.memory_space<vmem>>) target(%dma_start3A_232 : memref<128x128xf32, #tpu.memory_space<hbm>>) target_semaphore(%run_scoped3A : memref<!tpu.dma_semaphore, #tpu.memory_space<semaphore_mem>>)
      %dma_wait3A_233 = arith.constant 0 : i32
      %dma_wait3A_234 = tpu.memref_slice %arg6[%add3A_228, %dma_wait3A_233] : memref<20480x128xf32, #tpu.memory_space<hbm>> -> memref<128x128xf32, #tpu.memory_space<hbm>>
      %dma_wait3A_235 = arith.constant 0 : i32
      %dma_wait3A_236 = tpu.memref_slice %arg6[%add3A_228, %dma_wait3A_235] : memref<20480x128xf32, #tpu.memory_space<hbm>> -> memref<128x128xf32, #tpu.memory_space<hbm>>
      tpu.wait_dma2 semaphore(%run_scoped3A : memref<!tpu.dma_semaphore, #tpu.memory_space<semaphore_mem>>) src(%arg10 : memref<128x128xf32, #tpu.memory_space<vmem>>) dst(%dma_wait3A_236 : memref<128x128xf32, #tpu.memory_space<hbm>>)
      tpu.yield
    }) : () -> ()
    return
  }
}

#map = affine_map<(d0, d1) -> (0, 0)>
#map1 = affine_map<(d0, d1) -> (0, 0, 0)>
module attributes {stable_mosaic.version = 14 : i64} {
  func.func @_sc_text_body(%arg0: i32, %arg1: i32, %arg2: memref<100000x128xf32, #tpu.memory_space<hbm>>, %arg3: memref<201x128xf32, #tpu.memory_space<hbm>>, %arg4: memref<32x50x128xi32, #tpu.memory_space<hbm>>, %arg5: memref<32x50x128xi32, #tpu.memory_space<hbm>>, %arg6: memref<32x50x128xi32, #tpu.memory_space<hbm>>, %arg7: memref<32x50x128xi32, #tpu.memory_space<hbm>>, %arg8: memref<204800x128xf32, #tpu.memory_space<hbm>>, %arg9: memref<50x128xi32, #tpu.memory_space<vmem>>, %arg10: memref<50x128xi32, #tpu.memory_space<vmem>>, %arg11: memref<50x128xi32, #tpu.memory_space<vmem>>, %arg12: memref<50x128xi32, #tpu.memory_space<vmem>>, %arg13: memref<3x128xi32, #tpu.memory_space<vmem>>, %arg14: memref<201x128xf32, #tpu.memory_space<vmem_shared>>, %arg15: memref<128x128xf32, #tpu.memory_space<vmem>>, %arg16: memref<128x128xf32, #tpu.memory_space<vmem>>, %arg17: memref<128x128xf32, #tpu.memory_space<vmem>>, %arg18: memref<!tpu.dma_semaphore, #tpu.memory_space<semaphore_mem>>, %arg19: memref<!tpu.dma_semaphore, #tpu.memory_space<semaphore_mem>>, %arg20: memref<!tpu.dma_semaphore, #tpu.memory_space<semaphore_mem>>, %arg21: memref<!tpu.dma_semaphore, #tpu.memory_space<semaphore_mem>>, %arg22: memref<!tpu.dma_semaphore, #tpu.memory_space<semaphore_mem>>, %arg23: memref<!tpu.dma_semaphore, #tpu.memory_space<semaphore_mem>>) attributes {dimension_semantics = [#tpu.dimension_semantics<core_parallel>, #tpu.dimension_semantics<subcore_parallel>], iteration_bounds = array<i64: 2, 16>, scalar_prefetch = 0 : i64, scratch_operands = 15 : i64, tpu.core_type = #tpu.core_type<sc_vector_subcore>, window_params = [{transform_indices = #map}, {transform_indices = #map}, {transform_indices = #map1}, {transform_indices = #map1}, {transform_indices = #map1}, {transform_indices = #map1}, {transform_indices = #map}]} {
    %mul3A = arith.constant 2 : i32
    %mul3A_0 = arith.muli %arg1, %mul3A : i32
    %add3A = arith.addi %mul3A_0, %arg0 : i32
    "tpu.region"() ({
      %run_scoped3A = tpu.sem_alloc : memref<!tpu.dma_semaphore, #tpu.memory_space<semaphore_mem>>
      %dma_start3A = arith.constant 0 : i32
      %dma_start3A_32 = arith.constant 0 : i32
      %dma_start3A_33 = tpu.memref_slice %arg4[%add3A, %dma_start3A, %dma_start3A_32] : memref<32x50x128xi32, #tpu.memory_space<hbm>> -> memref<1x50x128xi32, #tpu.memory_space<hbm>>
      %dma_start3A_34 = tpu.memref_squeeze %dma_start3A_33 : memref<1x50x128xi32, #tpu.memory_space<hbm>> -> memref<50x128xi32, #tpu.memory_space<hbm>>
      %dma_start3A_35 = arith.constant 0 : i32
      %dma_start3A_36 = arith.constant 0 : i32
      %dma_start3A_37 = tpu.memref_slice %arg4[%add3A, %dma_start3A_35, %dma_start3A_36] : memref<32x50x128xi32, #tpu.memory_space<hbm>> -> memref<1x50x128xi32, #tpu.memory_space<hbm>>
      %dma_start3A_38 = tpu.memref_squeeze %dma_start3A_37 : memref<1x50x128xi32, #tpu.memory_space<hbm>> -> memref<50x128xi32, #tpu.memory_space<hbm>>
      tpu.enqueue_dma source(%dma_start3A_38 : memref<50x128xi32, #tpu.memory_space<hbm>>) target(%arg9 : memref<50x128xi32, #tpu.memory_space<vmem>>) target_semaphore(%run_scoped3A : memref<!tpu.dma_semaphore, #tpu.memory_space<semaphore_mem>>)
      %dma_wait3A_39 = arith.constant 0 : i32
      %dma_wait3A_40 = arith.constant 0 : i32
      %dma_wait3A_41 = tpu.memref_slice %arg4[%add3A, %dma_wait3A_39, %dma_wait3A_40] : memref<32x50x128xi32, #tpu.memory_space<hbm>> -> memref<1x50x128xi32, #tpu.memory_space<hbm>>
      %dma_wait3A_42 = tpu.memref_squeeze %dma_wait3A_41 : memref<1x50x128xi32, #tpu.memory_space<hbm>> -> memref<50x128xi32, #tpu.memory_space<hbm>>
      %dma_wait3A_43 = arith.constant 0 : i32
      %dma_wait3A_44 = arith.constant 0 : i32
      %dma_wait3A_45 = tpu.memref_slice %arg4[%add3A, %dma_wait3A_43, %dma_wait3A_44] : memref<32x50x128xi32, #tpu.memory_space<hbm>> -> memref<1x50x128xi32, #tpu.memory_space<hbm>>
      %dma_wait3A_46 = tpu.memref_squeeze %dma_wait3A_45 : memref<1x50x128xi32, #tpu.memory_space<hbm>> -> memref<50x128xi32, #tpu.memory_space<hbm>>
      tpu.wait_dma2 semaphore(%run_scoped3A : memref<!tpu.dma_semaphore, #tpu.memory_space<semaphore_mem>>) src(%dma_wait3A_46 : memref<50x128xi32, #tpu.memory_space<hbm>>) dst(%arg9 : memref<50x128xi32, #tpu.memory_space<vmem>>)
      tpu.yield
    }) : () -> ()
    "tpu.region"() ({
      %run_scoped3A = tpu.sem_alloc : memref<!tpu.dma_semaphore, #tpu.memory_space<semaphore_mem>>
      %dma_start3A = arith.constant 0 : i32
      %dma_start3A_32 = arith.constant 0 : i32
      %dma_start3A_33 = tpu.memref_slice %arg5[%add3A, %dma_start3A, %dma_start3A_32] : memref<32x50x128xi32, #tpu.memory_space<hbm>> -> memref<1x50x128xi32, #tpu.memory_space<hbm>>
      %dma_start3A_34 = tpu.memref_squeeze %dma_start3A_33 : memref<1x50x128xi32, #tpu.memory_space<hbm>> -> memref<50x128xi32, #tpu.memory_space<hbm>>
      %dma_start3A_35 = arith.constant 0 : i32
      %dma_start3A_36 = arith.constant 0 : i32
      %dma_start3A_37 = tpu.memref_slice %arg5[%add3A, %dma_start3A_35, %dma_start3A_36] : memref<32x50x128xi32, #tpu.memory_space<hbm>> -> memref<1x50x128xi32, #tpu.memory_space<hbm>>
      %dma_start3A_38 = tpu.memref_squeeze %dma_start3A_37 : memref<1x50x128xi32, #tpu.memory_space<hbm>> -> memref<50x128xi32, #tpu.memory_space<hbm>>
      tpu.enqueue_dma source(%dma_start3A_38 : memref<50x128xi32, #tpu.memory_space<hbm>>) target(%arg10 : memref<50x128xi32, #tpu.memory_space<vmem>>) target_semaphore(%run_scoped3A : memref<!tpu.dma_semaphore, #tpu.memory_space<semaphore_mem>>)
      %dma_wait3A_39 = arith.constant 0 : i32
      %dma_wait3A_40 = arith.constant 0 : i32
      %dma_wait3A_41 = tpu.memref_slice %arg5[%add3A, %dma_wait3A_39, %dma_wait3A_40] : memref<32x50x128xi32, #tpu.memory_space<hbm>> -> memref<1x50x128xi32, #tpu.memory_space<hbm>>
      %dma_wait3A_42 = tpu.memref_squeeze %dma_wait3A_41 : memref<1x50x128xi32, #tpu.memory_space<hbm>> -> memref<50x128xi32, #tpu.memory_space<hbm>>
      %dma_wait3A_43 = arith.constant 0 : i32
      %dma_wait3A_44 = arith.constant 0 : i32
      %dma_wait3A_45 = tpu.memref_slice %arg5[%add3A, %dma_wait3A_43, %dma_wait3A_44] : memref<32x50x128xi32, #tpu.memory_space<hbm>> -> memref<1x50x128xi32, #tpu.memory_space<hbm>>
      %dma_wait3A_46 = tpu.memref_squeeze %dma_wait3A_45 : memref<1x50x128xi32, #tpu.memory_space<hbm>> -> memref<50x128xi32, #tpu.memory_space<hbm>>
      tpu.wait_dma2 semaphore(%run_scoped3A : memref<!tpu.dma_semaphore, #tpu.memory_space<semaphore_mem>>) src(%dma_wait3A_46 : memref<50x128xi32, #tpu.memory_space<hbm>>) dst(%arg10 : memref<50x128xi32, #tpu.memory_space<vmem>>)
      tpu.yield
    }) : () -> ()
    "tpu.region"() ({
      %run_scoped3A = tpu.sem_alloc : memref<!tpu.dma_semaphore, #tpu.memory_space<semaphore_mem>>
      %dma_start3A = arith.constant 0 : i32
      %dma_start3A_32 = arith.constant 0 : i32
      %dma_start3A_33 = tpu.memref_slice %arg6[%add3A, %dma_start3A, %dma_start3A_32] : memref<32x50x128xi32, #tpu.memory_space<hbm>> -> memref<1x50x128xi32, #tpu.memory_space<hbm>>
      %dma_start3A_34 = tpu.memref_squeeze %dma_start3A_33 : memref<1x50x128xi32, #tpu.memory_space<hbm>> -> memref<50x128xi32, #tpu.memory_space<hbm>>
      %dma_start3A_35 = arith.constant 0 : i32
      %dma_start3A_36 = arith.constant 0 : i32
      %dma_start3A_37 = tpu.memref_slice %arg6[%add3A, %dma_start3A_35, %dma_start3A_36] : memref<32x50x128xi32, #tpu.memory_space<hbm>> -> memref<1x50x128xi32, #tpu.memory_space<hbm>>
      %dma_start3A_38 = tpu.memref_squeeze %dma_start3A_37 : memref<1x50x128xi32, #tpu.memory_space<hbm>> -> memref<50x128xi32, #tpu.memory_space<hbm>>
      tpu.enqueue_dma source(%dma_start3A_38 : memref<50x128xi32, #tpu.memory_space<hbm>>) target(%arg11 : memref<50x128xi32, #tpu.memory_space<vmem>>) target_semaphore(%run_scoped3A : memref<!tpu.dma_semaphore, #tpu.memory_space<semaphore_mem>>)
      %dma_wait3A_39 = arith.constant 0 : i32
      %dma_wait3A_40 = arith.constant 0 : i32
      %dma_wait3A_41 = tpu.memref_slice %arg6[%add3A, %dma_wait3A_39, %dma_wait3A_40] : memref<32x50x128xi32, #tpu.memory_space<hbm>> -> memref<1x50x128xi32, #tpu.memory_space<hbm>>
      %dma_wait3A_42 = tpu.memref_squeeze %dma_wait3A_41 : memref<1x50x128xi32, #tpu.memory_space<hbm>> -> memref<50x128xi32, #tpu.memory_space<hbm>>
      %dma_wait3A_43 = arith.constant 0 : i32
      %dma_wait3A_44 = arith.constant 0 : i32
      %dma_wait3A_45 = tpu.memref_slice %arg6[%add3A, %dma_wait3A_43, %dma_wait3A_44] : memref<32x50x128xi32, #tpu.memory_space<hbm>> -> memref<1x50x128xi32, #tpu.memory_space<hbm>>
      %dma_wait3A_46 = tpu.memref_squeeze %dma_wait3A_45 : memref<1x50x128xi32, #tpu.memory_space<hbm>> -> memref<50x128xi32, #tpu.memory_space<hbm>>
      tpu.wait_dma2 semaphore(%run_scoped3A : memref<!tpu.dma_semaphore, #tpu.memory_space<semaphore_mem>>) src(%dma_wait3A_46 : memref<50x128xi32, #tpu.memory_space<hbm>>) dst(%arg11 : memref<50x128xi32, #tpu.memory_space<vmem>>)
      tpu.yield
    }) : () -> ()
    "tpu.region"() ({
      %run_scoped3A = tpu.sem_alloc : memref<!tpu.dma_semaphore, #tpu.memory_space<semaphore_mem>>
      %dma_start3A = arith.constant 0 : i32
      %dma_start3A_32 = arith.constant 0 : i32
      %dma_start3A_33 = tpu.memref_slice %arg7[%add3A, %dma_start3A, %dma_start3A_32] : memref<32x50x128xi32, #tpu.memory_space<hbm>> -> memref<1x50x128xi32, #tpu.memory_space<hbm>>
      %dma_start3A_34 = tpu.memref_squeeze %dma_start3A_33 : memref<1x50x128xi32, #tpu.memory_space<hbm>> -> memref<50x128xi32, #tpu.memory_space<hbm>>
      %dma_start3A_35 = arith.constant 0 : i32
      %dma_start3A_36 = arith.constant 0 : i32
      %dma_start3A_37 = tpu.memref_slice %arg7[%add3A, %dma_start3A_35, %dma_start3A_36] : memref<32x50x128xi32, #tpu.memory_space<hbm>> -> memref<1x50x128xi32, #tpu.memory_space<hbm>>
      %dma_start3A_38 = tpu.memref_squeeze %dma_start3A_37 : memref<1x50x128xi32, #tpu.memory_space<hbm>> -> memref<50x128xi32, #tpu.memory_space<hbm>>
      tpu.enqueue_dma source(%dma_start3A_38 : memref<50x128xi32, #tpu.memory_space<hbm>>) target(%arg12 : memref<50x128xi32, #tpu.memory_space<vmem>>) target_semaphore(%run_scoped3A : memref<!tpu.dma_semaphore, #tpu.memory_space<semaphore_mem>>)
      %dma_wait3A_39 = arith.constant 0 : i32
      %dma_wait3A_40 = arith.constant 0 : i32
      %dma_wait3A_41 = tpu.memref_slice %arg7[%add3A, %dma_wait3A_39, %dma_wait3A_40] : memref<32x50x128xi32, #tpu.memory_space<hbm>> -> memref<1x50x128xi32, #tpu.memory_space<hbm>>
      %dma_wait3A_42 = tpu.memref_squeeze %dma_wait3A_41 : memref<1x50x128xi32, #tpu.memory_space<hbm>> -> memref<50x128xi32, #tpu.memory_space<hbm>>
      %dma_wait3A_43 = arith.constant 0 : i32
      %dma_wait3A_44 = arith.constant 0 : i32
      %dma_wait3A_45 = tpu.memref_slice %arg7[%add3A, %dma_wait3A_43, %dma_wait3A_44] : memref<32x50x128xi32, #tpu.memory_space<hbm>> -> memref<1x50x128xi32, #tpu.memory_space<hbm>>
      %dma_wait3A_46 = tpu.memref_squeeze %dma_wait3A_45 : memref<1x50x128xi32, #tpu.memory_space<hbm>> -> memref<50x128xi32, #tpu.memory_space<hbm>>
      tpu.wait_dma2 semaphore(%run_scoped3A : memref<!tpu.dma_semaphore, #tpu.memory_space<semaphore_mem>>) src(%dma_wait3A_46 : memref<50x128xi32, #tpu.memory_space<hbm>>) dst(%arg12 : memref<50x128xi32, #tpu.memory_space<vmem>>)
      tpu.yield
    }) : () -> ()
    %eq3A = arith.constant 0 : i32
    %eq3A_1 = arith.cmpi eq, %arg1, %eq3A : i32
    %convert_element_type3A = arith.extui %eq3A_1 : i1 to i32
    %cond3A = arith.constant 0 : i32
    %cond3A_2 = arith.cmpi ne, %convert_element_type3A, %cond3A : i32
    scf.if %cond3A_2 {
      "tpu.region"() ({
        %run_scoped3A = tpu.sem_alloc : memref<!tpu.dma_semaphore, #tpu.memory_space<semaphore_mem>>
        tpu.enqueue_dma source(%arg3 : memref<201x128xf32, #tpu.memory_space<hbm>>) target(%arg14 : memref<201x128xf32, #tpu.memory_space<vmem_shared>>) target_semaphore(%run_scoped3A : memref<!tpu.dma_semaphore, #tpu.memory_space<semaphore_mem>>)
        tpu.wait_dma2 semaphore(%run_scoped3A : memref<!tpu.dma_semaphore, #tpu.memory_space<semaphore_mem>>) src(%arg3 : memref<201x128xf32, #tpu.memory_space<hbm>>) dst(%arg14 : memref<201x128xf32, #tpu.memory_space<vmem_shared>>)
        tpu.yield
      }) : () -> ()
    } else {
    }
    %barrier3A = arith.constant 0 : index
    tpu.barrier barrier_id(%barrier3A)
    %iota3A = tpu.iota {dimensions = array<i32: 0>} : vector<16xi32>
    %mul3A_3 = arith.constant 200 : i32
    %mul3A_4 = vector.broadcast %mul3A_3 : i32 to vector<16xi32>
    %mul3A_5 = arith.muli %iota3A, %mul3A_4 : vector<16xi32>
    %scan3A = arith.constant 0 : i32
    %scan3A_6 = arith.constant 0 : i32
    %scan3A_7 = arith.constant 17 : i32
    %scan3A_8 = arith.addi %scan3A_6, %scan3A_7 : i32
    %scan3A_9 = arith.constant 1 : i32
    %scan3A_10 = scf.for %scan3A_32 = %scan3A_6 to %scan3A_8 step %scan3A_9 iter_args(%scan3A_33 = %scan3A) -> (i32)  : i32 {
      %mul3A_34 = arith.constant 3 : i32
      %mul3A_35 = arith.muli %mul3A_34, %scan3A_32 : i32
      %add3A_36 = arith.constant 0 : i32
      %add3A_37 = arith.addi %mul3A_35, %add3A_36 : i32
      %ge3A = arith.constant 3 : i32
      %ge3A_38 = arith.cmpi sge, %add3A_37, %ge3A : i32
      %lt3A = arith.constant 50 : i32
      %lt3A_39 = arith.cmpi slt, %add3A_37, %lt3A : i32
      %and3A = arith.andi %ge3A_38, %lt3A_39 : i1
      %convert_element_type3A_40 = arith.extui %and3A : i1 to i32
      %cond3A_41 = arith.constant 0 : i32
      %cond3A_42 = arith.cmpi ne, %convert_element_type3A_40, %cond3A_41 : i32
      scf.if %cond3A_42 {
        %dma_wait3A_112 = arith.constant 0 : i32
        %dma_wait3A_113 = arith.constant 0 : i32
        %dma_wait3A_114 = tpu.memref_slice %arg13[%dma_wait3A_112, %dma_wait3A_113] : memref<3x128xi32, #tpu.memory_space<vmem>> -> memref<1x128xi32, #tpu.memory_space<vmem>>
        %dma_wait3A_115 = tpu.memref_squeeze %dma_wait3A_114 : memref<1x128xi32, #tpu.memory_space<vmem>> -> memref<128xi32, #tpu.memory_space<vmem>>
        %dma_wait3A_116 = arith.constant 0 : i32
        %dma_wait3A_117 = arith.constant 0 : i32
        %dma_wait3A_118 = tpu.memref_slice %arg8[%dma_wait3A_116, %dma_wait3A_117] : memref<204800x128xf32, #tpu.memory_space<hbm>> -> memref<204800x128xf32, #tpu.memory_space<hbm>>
        tpu.wait_indirect_dma semaphore(%arg21 : memref<!tpu.dma_semaphore, #tpu.memory_space<semaphore_mem>>) src(%arg15 : memref<128x128xf32, #tpu.memory_space<vmem>>) dst(%dma_wait3A_118 : memref<204800x128xf32, #tpu.memory_space<hbm>>)
      } else {
      }
      %lt3A_43 = arith.constant 50 : i32
      %lt3A_44 = arith.cmpi slt, %add3A_37, %lt3A_43 : i32
      %convert_element_type3A_45 = arith.extui %lt3A_44 : i1 to i32
      %cond3A_46 = arith.constant 0 : i32
      %cond3A_47 = arith.cmpi ne, %convert_element_type3A_45, %cond3A_46 : i32
      scf.if %cond3A_47 {
        %mul3A_112 = arith.constant 50 : i32
        %mul3A_113 = arith.muli %add3A, %mul3A_112 : i32
        %add3A_114 = arith.addi %mul3A_113, %add3A_37 : i32
        %jit3A = arith.constant 8 : i32
        %eq3A_115 = arith.constant 0 : i32
        %eq3A_116 = arith.cmpi eq, %jit3A, %eq3A_115 : i32
        %jit3A_117 = arith.constant 1 : i32
        %select_n3A = arith.select %eq3A_116, %jit3A_117, %jit3A : i32
        %rem3A = arith.remsi %add3A_114, %select_n3A : i32
        %ne3A = arith.constant 0 : i32
        %ne3A_118 = arith.cmpi ne, %rem3A, %ne3A : i32
        %lt3A_119 = arith.constant 0 : i32
        %lt3A_120 = arith.cmpi slt, %rem3A, %lt3A_119 : i32
        %lt3A_121 = arith.constant 0 : i32
        %lt3A_122 = arith.cmpi slt, %select_n3A, %lt3A_121 : i32
        %ne3A_123 = arith.xori %lt3A_120, %lt3A_122 : i1
        %and3A_124 = arith.andi %ne3A_123, %ne3A_118 : i1
        %add3A_125 = arith.addi %rem3A, %select_n3A : i32
        %select_n3A_126 = arith.select %and3A_124, %add3A_125, %rem3A : i32
        %mul3A_127 = arith.constant 128 : i32
        %mul3A_128 = arith.muli %select_n3A_126, %mul3A_127 : i32
        %mul3A_129 = arith.constant 200 : i32
        %mul3A_130 = arith.muli %mul3A_128, %mul3A_129 : i32
        %jit3A_131 = arith.constant 8 : i32
        %div3A = arith.divsi %add3A_114, %jit3A_131 : i32
        %sign3A = arith.constant 0 : i32
        %sign3A_132 = arith.cmpi sgt, %add3A_114, %sign3A : i32
        %sign3A_133 = arith.extui %sign3A_132 : i1 to i32
        %sign3A_134 = arith.constant 0 : i32
        %sign3A_135 = arith.cmpi slt, %add3A_114, %sign3A_134 : i32
        %sign3A_136 = arith.extui %sign3A_135 : i1 to i32
        %sign3A_137 = arith.subi %sign3A_133, %sign3A_136 : i32
        %sign3A_138 = arith.constant 0 : i32
        %sign3A_139 = arith.cmpi sgt, %jit3A_131, %sign3A_138 : i32
        %sign3A_140 = arith.extui %sign3A_139 : i1 to i32
        %sign3A_141 = arith.constant 0 : i32
        %sign3A_142 = arith.cmpi slt, %jit3A_131, %sign3A_141 : i32
        %sign3A_143 = arith.extui %sign3A_142 : i1 to i32
        %sign3A_144 = arith.subi %sign3A_140, %sign3A_143 : i32
        %ne3A_145 = arith.cmpi ne, %sign3A_137, %sign3A_144 : i32
        %rem3A_146 = arith.remsi %add3A_114, %jit3A_131 : i32
        %ne3A_147 = arith.constant 0 : i32
        %ne3A_148 = arith.cmpi ne, %rem3A_146, %ne3A_147 : i32
        %and3A_149 = arith.andi %ne3A_145, %ne3A_148 : i1
        %sub3A_150 = arith.constant 1 : i32
        %sub3A_151 = arith.subi %div3A, %sub3A_150 : i32
        %select_n3A_152 = arith.select %and3A_149, %sub3A_151, %div3A : i32
        %add3A_153 = arith.addi %mul3A_130, %select_n3A_152 : i32
        %add3A_154 = arith.constant 0 : i32
        %add3A_155 = arith.addi %add3A_153, %add3A_154 : i32
        %add3A_156 = vector.broadcast %add3A_155 : i32 to vector<16xi32>
        %add3A_157 = arith.addi %mul3A_5, %add3A_156 : vector<16xi32>
        %swap3A = arith.constant 0 : i32
        %swap3A_158 = arith.index_cast %swap3A : i32 to index
        %swap3A_159 = arith.constant 0 : index
        %swap3A_160 = tpu.vector_load %arg13[%swap3A_158, %swap3A_159] {strides = array<i32>} : memref<3x128xi32, #tpu.memory_space<vmem>>, vector<1x16xi32>,
        %swap3A_161 = vector.shape_cast %swap3A_160 : vector<1x16xi32> to vector<16xi32>
        %swap3A_162 = vector.shape_cast %add3A_157 : vector<16xi32> to vector<1x16xi32>
        tpu.vector_store %arg13[%swap3A_158, %swap3A_159], %swap3A_162 {strides = array<i32>} : memref<3x128xi32, #tpu.memory_space<vmem>>, vector<1x16xi32>,
        %add3A_163 = arith.constant 3200 : i32
        %add3A_164 = arith.addi %add3A_153, %add3A_163 : i32
        %add3A_165 = vector.broadcast %add3A_164 : i32 to vector<16xi32>
        %add3A_166 = arith.addi %mul3A_5, %add3A_165 : vector<16xi32>
        %swap3A_167 = arith.constant 0 : i32
        %swap3A_168 = arith.index_cast %swap3A_167 : i32 to index
        %swap3A_169 = arith.constant 16 : index
        %swap3A_170 = tpu.vector_load %arg13[%swap3A_168, %swap3A_169] {strides = array<i32>} : memref<3x128xi32, #tpu.memory_space<vmem>>, vector<1x16xi32>,
        %swap3A_171 = vector.shape_cast %swap3A_170 : vector<1x16xi32> to vector<16xi32>
        %swap3A_172 = vector.shape_cast %add3A_166 : vector<16xi32> to vector<1x16xi32>
        tpu.vector_store %arg13[%swap3A_168, %swap3A_169], %swap3A_172 {strides = array<i32>} : memref<3x128xi32, #tpu.memory_space<vmem>>, vector<1x16xi32>,
        %add3A_173 = arith.constant 6400 : i32
        %add3A_174 = arith.addi %add3A_153, %add3A_173 : i32
        %add3A_175 = vector.broadcast %add3A_174 : i32 to vector<16xi32>
        %add3A_176 = arith.addi %mul3A_5, %add3A_175 : vector<16xi32>
        %swap3A_177 = arith.constant 0 : i32
        %swap3A_178 = arith.index_cast %swap3A_177 : i32 to index
        %swap3A_179 = arith.constant 32 : index
        %swap3A_180 = tpu.vector_load %arg13[%swap3A_178, %swap3A_179] {strides = array<i32>} : memref<3x128xi32, #tpu.memory_space<vmem>>, vector<1x16xi32>,
        %swap3A_181 = vector.shape_cast %swap3A_180 : vector<1x16xi32> to vector<16xi32>
        %swap3A_182 = vector.shape_cast %add3A_176 : vector<16xi32> to vector<1x16xi32>
        tpu.vector_store %arg13[%swap3A_178, %swap3A_179], %swap3A_182 {strides = array<i32>} : memref<3x128xi32, #tpu.memory_space<vmem>>, vector<1x16xi32>,
        %add3A_183 = arith.constant 9600 : i32
        %add3A_184 = arith.addi %add3A_153, %add3A_183 : i32
        %add3A_185 = vector.broadcast %add3A_184 : i32 to vector<16xi32>
        %add3A_186 = arith.addi %mul3A_5, %add3A_185 : vector<16xi32>
        %swap3A_187 = arith.constant 0 : i32
        %swap3A_188 = arith.index_cast %swap3A_187 : i32 to index
        %swap3A_189 = arith.constant 48 : index
        %swap3A_190 = tpu.vector_load %arg13[%swap3A_188, %swap3A_189] {strides = array<i32>} : memref<3x128xi32, #tpu.memory_space<vmem>>, vector<1x16xi32>,
        %swap3A_191 = vector.shape_cast %swap3A_190 : vector<1x16xi32> to vector<16xi32>
        %swap3A_192 = vector.shape_cast %add3A_186 : vector<16xi32> to vector<1x16xi32>
        tpu.vector_store %arg13[%swap3A_188, %swap3A_189], %swap3A_192 {strides = array<i32>} : memref<3x128xi32, #tpu.memory_space<vmem>>, vector<1x16xi32>,
        %add3A_193 = arith.constant 12800 : i32
        %add3A_194 = arith.addi %add3A_153, %add3A_193 : i32
        %add3A_195 = vector.broadcast %add3A_194 : i32 to vector<16xi32>
        %add3A_196 = arith.addi %mul3A_5, %add3A_195 : vector<16xi32>
        %swap3A_197 = arith.constant 0 : i32
        %swap3A_198 = arith.index_cast %swap3A_197 : i32 to index
        %swap3A_199 = arith.constant 64 : index
        %swap3A_200 = tpu.vector_load %arg13[%swap3A_198, %swap3A_199] {strides = array<i32>} : memref<3x128xi32, #tpu.memory_space<vmem>>, vector<1x16xi32>,
        %swap3A_201 = vector.shape_cast %swap3A_200 : vector<1x16xi32> to vector<16xi32>
        %swap3A_202 = vector.shape_cast %add3A_196 : vector<16xi32> to vector<1x16xi32>
        tpu.vector_store %arg13[%swap3A_198, %swap3A_199], %swap3A_202 {strides = array<i32>} : memref<3x128xi32, #tpu.memory_space<vmem>>, vector<1x16xi32>,
        %add3A_203 = arith.constant 16000 : i32
        %add3A_204 = arith.addi %add3A_153, %add3A_203 : i32
        %add3A_205 = vector.broadcast %add3A_204 : i32 to vector<16xi32>
        %add3A_206 = arith.addi %mul3A_5, %add3A_205 : vector<16xi32>
        %swap3A_207 = arith.constant 0 : i32
        %swap3A_208 = arith.index_cast %swap3A_207 : i32 to index
        %swap3A_209 = arith.constant 80 : index
        %swap3A_210 = tpu.vector_load %arg13[%swap3A_208, %swap3A_209] {strides = array<i32>} : memref<3x128xi32, #tpu.memory_space<vmem>>, vector<1x16xi32>,
        %swap3A_211 = vector.shape_cast %swap3A_210 : vector<1x16xi32> to vector<16xi32>
        %swap3A_212 = vector.shape_cast %add3A_206 : vector<16xi32> to vector<1x16xi32>
        tpu.vector_store %arg13[%swap3A_208, %swap3A_209], %swap3A_212 {strides = array<i32>} : memref<3x128xi32, #tpu.memory_space<vmem>>, vector<1x16xi32>,
        %add3A_213 = arith.constant 19200 : i32
        %add3A_214 = arith.addi %add3A_153, %add3A_213 : i32
        %add3A_215 = vector.broadcast %add3A_214 : i32 to vector<16xi32>
        %add3A_216 = arith.addi %mul3A_5, %add3A_215 : vector<16xi32>
        %swap3A_217 = arith.constant 0 : i32
        %swap3A_218 = arith.index_cast %swap3A_217 : i32 to index
        %swap3A_219 = arith.constant 96 : index
        %swap3A_220 = tpu.vector_load %arg13[%swap3A_218, %swap3A_219] {strides = array<i32>} : memref<3x128xi32, #tpu.memory_space<vmem>>, vector<1x16xi32>,
        %swap3A_221 = vector.shape_cast %swap3A_220 : vector<1x16xi32> to vector<16xi32>
        %swap3A_222 = vector.shape_cast %add3A_216 : vector<16xi32> to vector<1x16xi32>
        tpu.vector_store %arg13[%swap3A_218, %swap3A_219], %swap3A_222 {strides = array<i32>} : memref<3x128xi32, #tpu.memory_space<vmem>>, vector<1x16xi32>,
        %add3A_223 = arith.constant 22400 : i32
        %add3A_224 = arith.addi %add3A_153, %add3A_223 : i32
        %add3A_225 = vector.broadcast %add3A_224 : i32 to vector<16xi32>
        %add3A_226 = arith.addi %mul3A_5, %add3A_225 : vector<16xi32>
        %swap3A_227 = arith.constant 0 : i32
        %swap3A_228 = arith.index_cast %swap3A_227 : i32 to index
        %swap3A_229 = arith.constant 112 : index
        %swap3A_230 = tpu.vector_load %arg13[%swap3A_228, %swap3A_229] {strides = array<i32>} : memref<3x128xi32, #tpu.memory_space<vmem>>, vector<1x16xi32>,
        %swap3A_231 = vector.shape_cast %swap3A_230 : vector<1x16xi32> to vector<16xi32>
        %swap3A_232 = vector.shape_cast %add3A_226 : vector<16xi32> to vector<1x16xi32>
        tpu.vector_store %arg13[%swap3A_228, %swap3A_229], %swap3A_232 {strides = array<i32>} : memref<3x128xi32, #tpu.memory_space<vmem>>, vector<1x16xi32>,
        %dma_start3A = arith.constant 0 : i32
        %dma_start3A_233 = tpu.memref_slice %arg12[%add3A_37, %dma_start3A] : memref<50x128xi32, #tpu.memory_space<vmem>> -> memref<1x128xi32, #tpu.memory_space<vmem>>
        %dma_start3A_234 = tpu.memref_squeeze %dma_start3A_233 : memref<1x128xi32, #tpu.memory_space<vmem>> -> memref<128xi32, #tpu.memory_space<vmem>>
        %dma_start3A_235 = arith.constant 0 : i32
        %dma_start3A_236 = arith.constant 0 : i32
        %dma_start3A_237 = tpu.memref_slice %arg14[%dma_start3A_235, %dma_start3A_236] : memref<201x128xf32, #tpu.memory_space<vmem_shared>> -> memref<201x128xf32, #tpu.memory_space<vmem_shared>>
        tpu.enqueue_indirect_dma source(%dma_start3A_237 : memref<201x128xf32, #tpu.memory_space<vmem_shared>>) target(%arg15 : memref<128x128xf32, #tpu.memory_space<vmem>>) offsets(%dma_start3A_234 : memref<128xi32, #tpu.memory_space<vmem>>) semaphore(%arg18 : memref<!tpu.dma_semaphore, #tpu.memory_space<semaphore_mem>>)
        %dma_wait3A_238 = arith.constant 0 : i32
        %dma_wait3A_239 = tpu.memref_slice %arg12[%add3A_37, %dma_wait3A_238] : memref<50x128xi32, #tpu.memory_space<vmem>> -> memref<1x128xi32, #tpu.memory_space<vmem>>
        %dma_wait3A_240 = tpu.memref_squeeze %dma_wait3A_239 : memref<1x128xi32, #tpu.memory_space<vmem>> -> memref<128xi32, #tpu.memory_space<vmem>>
        %dma_wait3A_241 = arith.constant 0 : i32
        %dma_wait3A_242 = arith.constant 0 : i32
        %dma_wait3A_243 = tpu.memref_slice %arg14[%dma_wait3A_241, %dma_wait3A_242] : memref<201x128xf32, #tpu.memory_space<vmem_shared>> -> memref<201x128xf32, #tpu.memory_space<vmem_shared>>
        tpu.wait_indirect_dma semaphore(%arg18 : memref<!tpu.dma_semaphore, #tpu.memory_space<semaphore_mem>>) src(%dma_wait3A_243 : memref<201x128xf32, #tpu.memory_space<vmem_shared>>) dst(%arg15 : memref<128x128xf32, #tpu.memory_space<vmem>>)
        %dma_start3A_244 = arith.constant 0 : i32
        %dma_start3A_245 = tpu.memref_slice %arg9[%add3A_37, %dma_start3A_244] : memref<50x128xi32, #tpu.memory_space<vmem>> -> memref<1x128xi32, #tpu.memory_space<vmem>>
        %dma_start3A_246 = tpu.memref_squeeze %dma_start3A_245 : memref<1x128xi32, #tpu.memory_space<vmem>> -> memref<128xi32, #tpu.memory_space<vmem>>
        %dma_start3A_247 = arith.constant 0 : i32
        %dma_start3A_248 = arith.constant 0 : i32
        %dma_start3A_249 = tpu.memref_slice %arg2[%dma_start3A_247, %dma_start3A_248] : memref<100000x128xf32, #tpu.memory_space<hbm>> -> memref<100000x128xf32, #tpu.memory_space<hbm>>
        tpu.enqueue_indirect_dma source(%dma_start3A_249 : memref<100000x128xf32, #tpu.memory_space<hbm>>) target(%arg15 : memref<128x128xf32, #tpu.memory_space<vmem>>) offsets(%dma_start3A_246 : memref<128xi32, #tpu.memory_space<vmem>>) semaphore(%arg18 : memref<!tpu.dma_semaphore, #tpu.memory_space<semaphore_mem>>) {add = true}
        %dma_start3A_250 = arith.constant 0 : i32
        %dma_start3A_251 = tpu.memref_slice %arg10[%add3A_37, %dma_start3A_250] : memref<50x128xi32, #tpu.memory_space<vmem>> -> memref<1x128xi32, #tpu.memory_space<vmem>>
        %dma_start3A_252 = tpu.memref_squeeze %dma_start3A_251 : memref<1x128xi32, #tpu.memory_space<vmem>> -> memref<128xi32, #tpu.memory_space<vmem>>
        %dma_start3A_253 = arith.constant 0 : i32
        %dma_start3A_254 = arith.constant 0 : i32
        %dma_start3A_255 = tpu.memref_slice %arg2[%dma_start3A_253, %dma_start3A_254] : memref<100000x128xf32, #tpu.memory_space<hbm>> -> memref<100000x128xf32, #tpu.memory_space<hbm>>
        tpu.enqueue_indirect_dma source(%dma_start3A_255 : memref<100000x128xf32, #tpu.memory_space<hbm>>) target(%arg15 : memref<128x128xf32, #tpu.memory_space<vmem>>) offsets(%dma_start3A_252 : memref<128xi32, #tpu.memory_space<vmem>>) semaphore(%arg18 : memref<!tpu.dma_semaphore, #tpu.memory_space<semaphore_mem>>) {add = true}
        %dma_start3A_256 = arith.constant 0 : i32
        %dma_start3A_257 = tpu.memref_slice %arg11[%add3A_37, %dma_start3A_256] : memref<50x128xi32, #tpu.memory_space<vmem>> -> memref<1x128xi32, #tpu.memory_space<vmem>>
        %dma_start3A_258 = tpu.memref_squeeze %dma_start3A_257 : memref<1x128xi32, #tpu.memory_space<vmem>> -> memref<128xi32, #tpu.memory_space<vmem>>
        %dma_start3A_259 = arith.constant 0 : i32
        %dma_start3A_260 = arith.constant 0 : i32
        %dma_start3A_261 = tpu.memref_slice %arg2[%dma_start3A_259, %dma_start3A_260] : memref<100000x128xf32, #tpu.memory_space<hbm>> -> memref<100000x128xf32, #tpu.memory_space<hbm>>
        tpu.enqueue_indirect_dma source(%dma_start3A_261 : memref<100000x128xf32, #tpu.memory_space<hbm>>) target(%arg15 : memref<128x128xf32, #tpu.memory_space<vmem>>) offsets(%dma_start3A_258 : memref<128xi32, #tpu.memory_space<vmem>>) semaphore(%arg18 : memref<!tpu.dma_semaphore, #tpu.memory_space<semaphore_mem>>) {add = true}
      } else {
      }
      %sub3A = arith.constant 1 : i32
      %sub3A_48 = arith.subi %add3A_37, %sub3A : i32
      %ge3A_49 = arith.constant 0 : i32
      %ge3A_50 = arith.cmpi sge, %sub3A_48, %ge3A_49 : i32
      %lt3A_51 = arith.constant 50 : i32
      %lt3A_52 = arith.cmpi slt, %sub3A_48, %lt3A_51 : i32
      %and3A_53 = arith.andi %ge3A_50, %lt3A_52 : i1
      %convert_element_type3A_54 = arith.extui %and3A_53 : i1 to i32
      %cond3A_55 = arith.constant 0 : i32
      %cond3A_56 = arith.cmpi ne, %convert_element_type3A_54, %cond3A_55 : i32
      scf.if %cond3A_56 {
        %dma_wait3A_112 = arith.constant 0 : i32
        %dma_wait3A_113 = tpu.memref_slice %arg9[%sub3A_48, %dma_wait3A_112] : memref<50x128xi32, #tpu.memory_space<vmem>> -> memref<1x128xi32, #tpu.memory_space<vmem>>
        %dma_wait3A_114 = tpu.memref_squeeze %dma_wait3A_113 : memref<1x128xi32, #tpu.memory_space<vmem>> -> memref<128xi32, #tpu.memory_space<vmem>>
        %dma_wait3A_115 = arith.constant 0 : i32
        %dma_wait3A_116 = arith.constant 0 : i32
        %dma_wait3A_117 = tpu.memref_slice %arg2[%dma_wait3A_115, %dma_wait3A_116] : memref<100000x128xf32, #tpu.memory_space<hbm>> -> memref<100000x128xf32, #tpu.memory_space<hbm>>
        tpu.wait_indirect_dma semaphore(%arg20 : memref<!tpu.dma_semaphore, #tpu.memory_space<semaphore_mem>>) src(%dma_wait3A_117 : memref<100000x128xf32, #tpu.memory_space<hbm>>) dst(%arg17 : memref<128x128xf32, #tpu.memory_space<vmem>>)
        %dma_wait3A_118 = arith.constant 0 : i32
        %dma_wait3A_119 = tpu.memref_slice %arg10[%sub3A_48, %dma_wait3A_118] : memref<50x128xi32, #tpu.memory_space<vmem>> -> memref<1x128xi32, #tpu.memory_space<vmem>>
        %dma_wait3A_120 = tpu.memref_squeeze %dma_wait3A_119 : memref<1x128xi32, #tpu.memory_space<vmem>> -> memref<128xi32, #tpu.memory_space<vmem>>
        %dma_wait3A_121 = arith.constant 0 : i32
        %dma_wait3A_122 = arith.constant 0 : i32
        %dma_wait3A_123 = tpu.memref_slice %arg2[%dma_wait3A_121, %dma_wait3A_122] : memref<100000x128xf32, #tpu.memory_space<hbm>> -> memref<100000x128xf32, #tpu.memory_space<hbm>>
        tpu.wait_indirect_dma semaphore(%arg20 : memref<!tpu.dma_semaphore, #tpu.memory_space<semaphore_mem>>) src(%dma_wait3A_123 : memref<100000x128xf32, #tpu.memory_space<hbm>>) dst(%arg17 : memref<128x128xf32, #tpu.memory_space<vmem>>)
        %dma_wait3A_124 = arith.constant 0 : i32
        %dma_wait3A_125 = tpu.memref_slice %arg11[%sub3A_48, %dma_wait3A_124] : memref<50x128xi32, #tpu.memory_space<vmem>> -> memref<1x128xi32, #tpu.memory_space<vmem>>
        %dma_wait3A_126 = tpu.memref_squeeze %dma_wait3A_125 : memref<1x128xi32, #tpu.memory_space<vmem>> -> memref<128xi32, #tpu.memory_space<vmem>>
        %dma_wait3A_127 = arith.constant 0 : i32
        %dma_wait3A_128 = arith.constant 0 : i32
        %dma_wait3A_129 = tpu.memref_slice %arg2[%dma_wait3A_127, %dma_wait3A_128] : memref<100000x128xf32, #tpu.memory_space<hbm>> -> memref<100000x128xf32, #tpu.memory_space<hbm>>
        tpu.wait_indirect_dma semaphore(%arg20 : memref<!tpu.dma_semaphore, #tpu.memory_space<semaphore_mem>>) src(%dma_wait3A_129 : memref<100000x128xf32, #tpu.memory_space<hbm>>) dst(%arg17 : memref<128x128xf32, #tpu.memory_space<vmem>>)
        %dma_start3A = arith.constant 2 : i32
        %dma_start3A_130 = arith.constant 0 : i32
        %dma_start3A_131 = tpu.memref_slice %arg13[%dma_start3A, %dma_start3A_130] : memref<3x128xi32, #tpu.memory_space<vmem>> -> memref<1x128xi32, #tpu.memory_space<vmem>>
        %dma_start3A_132 = tpu.memref_squeeze %dma_start3A_131 : memref<1x128xi32, #tpu.memory_space<vmem>> -> memref<128xi32, #tpu.memory_space<vmem>>
        %dma_start3A_133 = arith.constant 0 : i32
        %dma_start3A_134 = arith.constant 0 : i32
        %dma_start3A_135 = tpu.memref_slice %arg8[%dma_start3A_133, %dma_start3A_134] : memref<204800x128xf32, #tpu.memory_space<hbm>> -> memref<204800x128xf32, #tpu.memory_space<hbm>>
        tpu.enqueue_indirect_dma source(%arg17 : memref<128x128xf32, #tpu.memory_space<vmem>>) target(%dma_start3A_135 : memref<204800x128xf32, #tpu.memory_space<hbm>>) offsets(%dma_start3A_132 : memref<128xi32, #tpu.memory_space<vmem>>) semaphore(%arg23 : memref<!tpu.dma_semaphore, #tpu.memory_space<semaphore_mem>>)
      } else {
      }
      %mul3A_57 = arith.constant 3 : i32
      %mul3A_58 = arith.muli %mul3A_57, %scan3A_32 : i32
      %add3A_59 = arith.constant 1 : i32
      %add3A_60 = arith.addi %mul3A_58, %add3A_59 : i32
      %ge3A_61 = arith.constant 3 : i32
      %ge3A_62 = arith.cmpi sge, %add3A_60, %ge3A_61 : i32
      %lt3A_63 = arith.constant 50 : i32
      %lt3A_64 = arith.cmpi slt, %add3A_60, %lt3A_63 : i32
      %and3A_65 = arith.andi %ge3A_62, %lt3A_64 : i1
      %convert_element_type3A_66 = arith.extui %and3A_65 : i1 to i32
      %cond3A_67 = arith.constant 0 : i32
      %cond3A_68 = arith.cmpi ne, %convert_element_type3A_66, %cond3A_67 : i32
      scf.if %cond3A_68 {
        %dma_wait3A_112 = arith.constant 1 : i32
        %dma_wait3A_113 = arith.constant 0 : i32
        %dma_wait3A_114 = tpu.memref_slice %arg13[%dma_wait3A_112, %dma_wait3A_113] : memref<3x128xi32, #tpu.memory_space<vmem>> -> memref<1x128xi32, #tpu.memory_space<vmem>>
        %dma_wait3A_115 = tpu.memref_squeeze %dma_wait3A_114 : memref<1x128xi32, #tpu.memory_space<vmem>> -> memref<128xi32, #tpu.memory_space<vmem>>
        %dma_wait3A_116 = arith.constant 0 : i32
        %dma_wait3A_117 = arith.constant 0 : i32
        %dma_wait3A_118 = tpu.memref_slice %arg8[%dma_wait3A_116, %dma_wait3A_117] : memref<204800x128xf32, #tpu.memory_space<hbm>> -> memref<204800x128xf32, #tpu.memory_space<hbm>>
        tpu.wait_indirect_dma semaphore(%arg22 : memref<!tpu.dma_semaphore, #tpu.memory_space<semaphore_mem>>) src(%arg16 : memref<128x128xf32, #tpu.memory_space<vmem>>) dst(%dma_wait3A_118 : memref<204800x128xf32, #tpu.memory_space<hbm>>)
      } else {
      }
      %lt3A_69 = arith.constant 50 : i32
      %lt3A_70 = arith.cmpi slt, %add3A_60, %lt3A_69 : i32
      %convert_element_type3A_71 = arith.extui %lt3A_70 : i1 to i32
      %cond3A_72 = arith.constant 0 : i32
      %cond3A_73 = arith.cmpi ne, %convert_element_type3A_71, %cond3A_72 : i32
      scf.if %cond3A_73 {
        %mul3A_112 = arith.constant 50 : i32
        %mul3A_113 = arith.muli %add3A, %mul3A_112 : i32
        %add3A_114 = arith.addi %mul3A_113, %add3A_60 : i32
        %jit3A = arith.constant 8 : i32
        %eq3A_115 = arith.constant 0 : i32
        %eq3A_116 = arith.cmpi eq, %jit3A, %eq3A_115 : i32
        %jit3A_117 = arith.constant 1 : i32
        %select_n3A = arith.select %eq3A_116, %jit3A_117, %jit3A : i32
        %rem3A = arith.remsi %add3A_114, %select_n3A : i32
        %ne3A = arith.constant 0 : i32
        %ne3A_118 = arith.cmpi ne, %rem3A, %ne3A : i32
        %lt3A_119 = arith.constant 0 : i32
        %lt3A_120 = arith.cmpi slt, %rem3A, %lt3A_119 : i32
        %lt3A_121 = arith.constant 0 : i32
        %lt3A_122 = arith.cmpi slt, %select_n3A, %lt3A_121 : i32
        %ne3A_123 = arith.xori %lt3A_120, %lt3A_122 : i1
        %and3A_124 = arith.andi %ne3A_123, %ne3A_118 : i1
        %add3A_125 = arith.addi %rem3A, %select_n3A : i32
        %select_n3A_126 = arith.select %and3A_124, %add3A_125, %rem3A : i32
        %mul3A_127 = arith.constant 128 : i32
        %mul3A_128 = arith.muli %select_n3A_126, %mul3A_127 : i32
        %mul3A_129 = arith.constant 200 : i32
        %mul3A_130 = arith.muli %mul3A_128, %mul3A_129 : i32
        %jit3A_131 = arith.constant 8 : i32
        %div3A = arith.divsi %add3A_114, %jit3A_131 : i32
        %sign3A = arith.constant 0 : i32
        %sign3A_132 = arith.cmpi sgt, %add3A_114, %sign3A : i32
        %sign3A_133 = arith.extui %sign3A_132 : i1 to i32
        %sign3A_134 = arith.constant 0 : i32
        %sign3A_135 = arith.cmpi slt, %add3A_114, %sign3A_134 : i32
        %sign3A_136 = arith.extui %sign3A_135 : i1 to i32
        %sign3A_137 = arith.subi %sign3A_133, %sign3A_136 : i32
        %sign3A_138 = arith.constant 0 : i32
        %sign3A_139 = arith.cmpi sgt, %jit3A_131, %sign3A_138 : i32
        %sign3A_140 = arith.extui %sign3A_139 : i1 to i32
        %sign3A_141 = arith.constant 0 : i32
        %sign3A_142 = arith.cmpi slt, %jit3A_131, %sign3A_141 : i32
        %sign3A_143 = arith.extui %sign3A_142 : i1 to i32
        %sign3A_144 = arith.subi %sign3A_140, %sign3A_143 : i32
        %ne3A_145 = arith.cmpi ne, %sign3A_137, %sign3A_144 : i32
        %rem3A_146 = arith.remsi %add3A_114, %jit3A_131 : i32
        %ne3A_147 = arith.constant 0 : i32
        %ne3A_148 = arith.cmpi ne, %rem3A_146, %ne3A_147 : i32
        %and3A_149 = arith.andi %ne3A_145, %ne3A_148 : i1
        %sub3A_150 = arith.constant 1 : i32
        %sub3A_151 = arith.subi %div3A, %sub3A_150 : i32
        %select_n3A_152 = arith.select %and3A_149, %sub3A_151, %div3A : i32
        %add3A_153 = arith.addi %mul3A_130, %select_n3A_152 : i32
        %add3A_154 = arith.constant 0 : i32
        %add3A_155 = arith.addi %add3A_153, %add3A_154 : i32
        %add3A_156 = vector.broadcast %add3A_155 : i32 to vector<16xi32>
        %add3A_157 = arith.addi %mul3A_5, %add3A_156 : vector<16xi32>
        %swap3A = arith.constant 1 : i32
        %swap3A_158 = arith.index_cast %swap3A : i32 to index
        %swap3A_159 = arith.constant 0 : index
        %swap3A_160 = tpu.vector_load %arg13[%swap3A_158, %swap3A_159] {strides = array<i32>} : memref<3x128xi32, #tpu.memory_space<vmem>>, vector<1x16xi32>,
        %swap3A_161 = vector.shape_cast %swap3A_160 : vector<1x16xi32> to vector<16xi32>
        %swap3A_162 = vector.shape_cast %add3A_157 : vector<16xi32> to vector<1x16xi32>
        tpu.vector_store %arg13[%swap3A_158, %swap3A_159], %swap3A_162 {strides = array<i32>} : memref<3x128xi32, #tpu.memory_space<vmem>>, vector<1x16xi32>,
        %add3A_163 = arith.constant 3200 : i32
        %add3A_164 = arith.addi %add3A_153, %add3A_163 : i32
        %add3A_165 = vector.broadcast %add3A_164 : i32 to vector<16xi32>
        %add3A_166 = arith.addi %mul3A_5, %add3A_165 : vector<16xi32>
        %swap3A_167 = arith.constant 1 : i32
        %swap3A_168 = arith.index_cast %swap3A_167 : i32 to index
        %swap3A_169 = arith.constant 16 : index
        %swap3A_170 = tpu.vector_load %arg13[%swap3A_168, %swap3A_169] {strides = array<i32>} : memref<3x128xi32, #tpu.memory_space<vmem>>, vector<1x16xi32>,
        %swap3A_171 = vector.shape_cast %swap3A_170 : vector<1x16xi32> to vector<16xi32>
        %swap3A_172 = vector.shape_cast %add3A_166 : vector<16xi32> to vector<1x16xi32>
        tpu.vector_store %arg13[%swap3A_168, %swap3A_169], %swap3A_172 {strides = array<i32>} : memref<3x128xi32, #tpu.memory_space<vmem>>, vector<1x16xi32>,
        %add3A_173 = arith.constant 6400 : i32
        %add3A_174 = arith.addi %add3A_153, %add3A_173 : i32
        %add3A_175 = vector.broadcast %add3A_174 : i32 to vector<16xi32>
        %add3A_176 = arith.addi %mul3A_5, %add3A_175 : vector<16xi32>
        %swap3A_177 = arith.constant 1 : i32
        %swap3A_178 = arith.index_cast %swap3A_177 : i32 to index
        %swap3A_179 = arith.constant 32 : index
        %swap3A_180 = tpu.vector_load %arg13[%swap3A_178, %swap3A_179] {strides = array<i32>} : memref<3x128xi32, #tpu.memory_space<vmem>>, vector<1x16xi32>,
        %swap3A_181 = vector.shape_cast %swap3A_180 : vector<1x16xi32> to vector<16xi32>
        %swap3A_182 = vector.shape_cast %add3A_176 : vector<16xi32> to vector<1x16xi32>
        tpu.vector_store %arg13[%swap3A_178, %swap3A_179], %swap3A_182 {strides = array<i32>} : memref<3x128xi32, #tpu.memory_space<vmem>>, vector<1x16xi32>,
        %add3A_183 = arith.constant 9600 : i32
        %add3A_184 = arith.addi %add3A_153, %add3A_183 : i32
        %add3A_185 = vector.broadcast %add3A_184 : i32 to vector<16xi32>
        %add3A_186 = arith.addi %mul3A_5, %add3A_185 : vector<16xi32>
        %swap3A_187 = arith.constant 1 : i32
        %swap3A_188 = arith.index_cast %swap3A_187 : i32 to index
        %swap3A_189 = arith.constant 48 : index
        %swap3A_190 = tpu.vector_load %arg13[%swap3A_188, %swap3A_189] {strides = array<i32>} : memref<3x128xi32, #tpu.memory_space<vmem>>, vector<1x16xi32>,
        %swap3A_191 = vector.shape_cast %swap3A_190 : vector<1x16xi32> to vector<16xi32>
        %swap3A_192 = vector.shape_cast %add3A_186 : vector<16xi32> to vector<1x16xi32>
        tpu.vector_store %arg13[%swap3A_188, %swap3A_189], %swap3A_192 {strides = array<i32>} : memref<3x128xi32, #tpu.memory_space<vmem>>, vector<1x16xi32>,
        %add3A_193 = arith.constant 12800 : i32
        %add3A_194 = arith.addi %add3A_153, %add3A_193 : i32
        %add3A_195 = vector.broadcast %add3A_194 : i32 to vector<16xi32>
        %add3A_196 = arith.addi %mul3A_5, %add3A_195 : vector<16xi32>
        %swap3A_197 = arith.constant 1 : i32
        %swap3A_198 = arith.index_cast %swap3A_197 : i32 to index
        %swap3A_199 = arith.constant 64 : index
        %swap3A_200 = tpu.vector_load %arg13[%swap3A_198, %swap3A_199] {strides = array<i32>} : memref<3x128xi32, #tpu.memory_space<vmem>>, vector<1x16xi32>,
        %swap3A_201 = vector.shape_cast %swap3A_200 : vector<1x16xi32> to vector<16xi32>
        %swap3A_202 = vector.shape_cast %add3A_196 : vector<16xi32> to vector<1x16xi32>
        tpu.vector_store %arg13[%swap3A_198, %swap3A_199], %swap3A_202 {strides = array<i32>} : memref<3x128xi32, #tpu.memory_space<vmem>>, vector<1x16xi32>,
        %add3A_203 = arith.constant 16000 : i32
        %add3A_204 = arith.addi %add3A_153, %add3A_203 : i32
        %add3A_205 = vector.broadcast %add3A_204 : i32 to vector<16xi32>
        %add3A_206 = arith.addi %mul3A_5, %add3A_205 : vector<16xi32>
        %swap3A_207 = arith.constant 1 : i32
        %swap3A_208 = arith.index_cast %swap3A_207 : i32 to index
        %swap3A_209 = arith.constant 80 : index
        %swap3A_210 = tpu.vector_load %arg13[%swap3A_208, %swap3A_209] {strides = array<i32>} : memref<3x128xi32, #tpu.memory_space<vmem>>, vector<1x16xi32>,
        %swap3A_211 = vector.shape_cast %swap3A_210 : vector<1x16xi32> to vector<16xi32>
        %swap3A_212 = vector.shape_cast %add3A_206 : vector<16xi32> to vector<1x16xi32>
        tpu.vector_store %arg13[%swap3A_208, %swap3A_209], %swap3A_212 {strides = array<i32>} : memref<3x128xi32, #tpu.memory_space<vmem>>, vector<1x16xi32>,
        %add3A_213 = arith.constant 19200 : i32
        %add3A_214 = arith.addi %add3A_153, %add3A_213 : i32
        %add3A_215 = vector.broadcast %add3A_214 : i32 to vector<16xi32>
        %add3A_216 = arith.addi %mul3A_5, %add3A_215 : vector<16xi32>
        %swap3A_217 = arith.constant 1 : i32
        %swap3A_218 = arith.index_cast %swap3A_217 : i32 to index
        %swap3A_219 = arith.constant 96 : index
        %swap3A_220 = tpu.vector_load %arg13[%swap3A_218, %swap3A_219] {strides = array<i32>} : memref<3x128xi32, #tpu.memory_space<vmem>>, vector<1x16xi32>,
        %swap3A_221 = vector.shape_cast %swap3A_220 : vector<1x16xi32> to vector<16xi32>
        %swap3A_222 = vector.shape_cast %add3A_216 : vector<16xi32> to vector<1x16xi32>
        tpu.vector_store %arg13[%swap3A_218, %swap3A_219], %swap3A_222 {strides = array<i32>} : memref<3x128xi32, #tpu.memory_space<vmem>>, vector<1x16xi32>,
        %add3A_223 = arith.constant 22400 : i32
        %add3A_224 = arith.addi %add3A_153, %add3A_223 : i32
        %add3A_225 = vector.broadcast %add3A_224 : i32 to vector<16xi32>
        %add3A_226 = arith.addi %mul3A_5, %add3A_225 : vector<16xi32>
        %swap3A_227 = arith.constant 1 : i32
        %swap3A_228 = arith.index_cast %swap3A_227 : i32 to index
        %swap3A_229 = arith.constant 112 : index
        %swap3A_230 = tpu.vector_load %arg13[%swap3A_228, %swap3A_229] {strides = array<i32>} : memref<3x128xi32, #tpu.memory_space<vmem>>, vector<1x16xi32>,
        %swap3A_231 = vector.shape_cast %swap3A_230 : vector<1x16xi32> to vector<16xi32>
        %swap3A_232 = vector.shape_cast %add3A_226 : vector<16xi32> to vector<1x16xi32>
        tpu.vector_store %arg13[%swap3A_228, %swap3A_229], %swap3A_232 {strides = array<i32>} : memref<3x128xi32, #tpu.memory_space<vmem>>, vector<1x16xi32>,
        %dma_start3A = arith.constant 0 : i32
        %dma_start3A_233 = tpu.memref_slice %arg12[%add3A_60, %dma_start3A] : memref<50x128xi32, #tpu.memory_space<vmem>> -> memref<1x128xi32, #tpu.memory_space<vmem>>
        %dma_start3A_234 = tpu.memref_squeeze %dma_start3A_233 : memref<1x128xi32, #tpu.memory_space<vmem>> -> memref<128xi32, #tpu.memory_space<vmem>>
        %dma_start3A_235 = arith.constant 0 : i32
        %dma_start3A_236 = arith.constant 0 : i32
        %dma_start3A_237 = tpu.memref_slice %arg14[%dma_start3A_235, %dma_start3A_236] : memref<201x128xf32, #tpu.memory_space<vmem_shared>> -> memref<201x128xf32, #tpu.memory_space<vmem_shared>>
        tpu.enqueue_indirect_dma source(%dma_start3A_237 : memref<201x128xf32, #tpu.memory_space<vmem_shared>>) target(%arg16 : memref<128x128xf32, #tpu.memory_space<vmem>>) offsets(%dma_start3A_234 : memref<128xi32, #tpu.memory_space<vmem>>) semaphore(%arg19 : memref<!tpu.dma_semaphore, #tpu.memory_space<semaphore_mem>>)
        %dma_wait3A_238 = arith.constant 0 : i32
        %dma_wait3A_239 = tpu.memref_slice %arg12[%add3A_60, %dma_wait3A_238] : memref<50x128xi32, #tpu.memory_space<vmem>> -> memref<1x128xi32, #tpu.memory_space<vmem>>
        %dma_wait3A_240 = tpu.memref_squeeze %dma_wait3A_239 : memref<1x128xi32, #tpu.memory_space<vmem>> -> memref<128xi32, #tpu.memory_space<vmem>>
        %dma_wait3A_241 = arith.constant 0 : i32
        %dma_wait3A_242 = arith.constant 0 : i32
        %dma_wait3A_243 = tpu.memref_slice %arg14[%dma_wait3A_241, %dma_wait3A_242] : memref<201x128xf32, #tpu.memory_space<vmem_shared>> -> memref<201x128xf32, #tpu.memory_space<vmem_shared>>
        tpu.wait_indirect_dma semaphore(%arg19 : memref<!tpu.dma_semaphore, #tpu.memory_space<semaphore_mem>>) src(%dma_wait3A_243 : memref<201x128xf32, #tpu.memory_space<vmem_shared>>) dst(%arg16 : memref<128x128xf32, #tpu.memory_space<vmem>>)
        %dma_start3A_244 = arith.constant 0 : i32
        %dma_start3A_245 = tpu.memref_slice %arg9[%add3A_60, %dma_start3A_244] : memref<50x128xi32, #tpu.memory_space<vmem>> -> memref<1x128xi32, #tpu.memory_space<vmem>>
        %dma_start3A_246 = tpu.memref_squeeze %dma_start3A_245 : memref<1x128xi32, #tpu.memory_space<vmem>> -> memref<128xi32, #tpu.memory_space<vmem>>
        %dma_start3A_247 = arith.constant 0 : i32
        %dma_start3A_248 = arith.constant 0 : i32
        %dma_start3A_249 = tpu.memref_slice %arg2[%dma_start3A_247, %dma_start3A_248] : memref<100000x128xf32, #tpu.memory_space<hbm>> -> memref<100000x128xf32, #tpu.memory_space<hbm>>
        tpu.enqueue_indirect_dma source(%dma_start3A_249 : memref<100000x128xf32, #tpu.memory_space<hbm>>) target(%arg16 : memref<128x128xf32, #tpu.memory_space<vmem>>) offsets(%dma_start3A_246 : memref<128xi32, #tpu.memory_space<vmem>>) semaphore(%arg19 : memref<!tpu.dma_semaphore, #tpu.memory_space<semaphore_mem>>) {add = true}
        %dma_start3A_250 = arith.constant 0 : i32
        %dma_start3A_251 = tpu.memref_slice %arg10[%add3A_60, %dma_start3A_250] : memref<50x128xi32, #tpu.memory_space<vmem>> -> memref<1x128xi32, #tpu.memory_space<vmem>>
        %dma_start3A_252 = tpu.memref_squeeze %dma_start3A_251 : memref<1x128xi32, #tpu.memory_space<vmem>> -> memref<128xi32, #tpu.memory_space<vmem>>
        %dma_start3A_253 = arith.constant 0 : i32
        %dma_start3A_254 = arith.constant 0 : i32
        %dma_start3A_255 = tpu.memref_slice %arg2[%dma_start3A_253, %dma_start3A_254] : memref<100000x128xf32, #tpu.memory_space<hbm>> -> memref<100000x128xf32, #tpu.memory_space<hbm>>
        tpu.enqueue_indirect_dma source(%dma_start3A_255 : memref<100000x128xf32, #tpu.memory_space<hbm>>) target(%arg16 : memref<128x128xf32, #tpu.memory_space<vmem>>) offsets(%dma_start3A_252 : memref<128xi32, #tpu.memory_space<vmem>>) semaphore(%arg19 : memref<!tpu.dma_semaphore, #tpu.memory_space<semaphore_mem>>) {add = true}
        %dma_start3A_256 = arith.constant 0 : i32
        %dma_start3A_257 = tpu.memref_slice %arg11[%add3A_60, %dma_start3A_256] : memref<50x128xi32, #tpu.memory_space<vmem>> -> memref<1x128xi32, #tpu.memory_space<vmem>>
        %dma_start3A_258 = tpu.memref_squeeze %dma_start3A_257 : memref<1x128xi32, #tpu.memory_space<vmem>> -> memref<128xi32, #tpu.memory_space<vmem>>
        %dma_start3A_259 = arith.constant 0 : i32
        %dma_start3A_260 = arith.constant 0 : i32
        %dma_start3A_261 = tpu.memref_slice %arg2[%dma_start3A_259, %dma_start3A_260] : memref<100000x128xf32, #tpu.memory_space<hbm>> -> memref<100000x128xf32, #tpu.memory_space<hbm>>
        tpu.enqueue_indirect_dma source(%dma_start3A_261 : memref<100000x128xf32, #tpu.memory_space<hbm>>) target(%arg16 : memref<128x128xf32, #tpu.memory_space<vmem>>) offsets(%dma_start3A_258 : memref<128xi32, #tpu.memory_space<vmem>>) semaphore(%arg19 : memref<!tpu.dma_semaphore, #tpu.memory_space<semaphore_mem>>) {add = true}
      } else {
      }
      %sub3A_74 = arith.constant 1 : i32
      %sub3A_75 = arith.subi %add3A_60, %sub3A_74 : i32
      %ge3A_76 = arith.constant 0 : i32
      %ge3A_77 = arith.cmpi sge, %sub3A_75, %ge3A_76 : i32
      %lt3A_78 = arith.constant 50 : i32
      %lt3A_79 = arith.cmpi slt, %sub3A_75, %lt3A_78 : i32
      %and3A_80 = arith.andi %ge3A_77, %lt3A_79 : i1
      %convert_element_type3A_81 = arith.extui %and3A_80 : i1 to i32
      %cond3A_82 = arith.constant 0 : i32
      %cond3A_83 = arith.cmpi ne, %convert_element_type3A_81, %cond3A_82 : i32
      scf.if %cond3A_83 {
        %dma_wait3A_112 = arith.constant 0 : i32
        %dma_wait3A_113 = tpu.memref_slice %arg9[%sub3A_75, %dma_wait3A_112] : memref<50x128xi32, #tpu.memory_space<vmem>> -> memref<1x128xi32, #tpu.memory_space<vmem>>
        %dma_wait3A_114 = tpu.memref_squeeze %dma_wait3A_113 : memref<1x128xi32, #tpu.memory_space<vmem>> -> memref<128xi32, #tpu.memory_space<vmem>>
        %dma_wait3A_115 = arith.constant 0 : i32
        %dma_wait3A_116 = arith.constant 0 : i32
        %dma_wait3A_117 = tpu.memref_slice %arg2[%dma_wait3A_115, %dma_wait3A_116] : memref<100000x128xf32, #tpu.memory_space<hbm>> -> memref<100000x128xf32, #tpu.memory_space<hbm>>
        tpu.wait_indirect_dma semaphore(%arg18 : memref<!tpu.dma_semaphore, #tpu.memory_space<semaphore_mem>>) src(%dma_wait3A_117 : memref<100000x128xf32, #tpu.memory_space<hbm>>) dst(%arg15 : memref<128x128xf32, #tpu.memory_space<vmem>>)
        %dma_wait3A_118 = arith.constant 0 : i32
        %dma_wait3A_119 = tpu.memref_slice %arg10[%sub3A_75, %dma_wait3A_118] : memref<50x128xi32, #tpu.memory_space<vmem>> -> memref<1x128xi32, #tpu.memory_space<vmem>>
        %dma_wait3A_120 = tpu.memref_squeeze %dma_wait3A_119 : memref<1x128xi32, #tpu.memory_space<vmem>> -> memref<128xi32, #tpu.memory_space<vmem>>
        %dma_wait3A_121 = arith.constant 0 : i32
        %dma_wait3A_122 = arith.constant 0 : i32
        %dma_wait3A_123 = tpu.memref_slice %arg2[%dma_wait3A_121, %dma_wait3A_122] : memref<100000x128xf32, #tpu.memory_space<hbm>> -> memref<100000x128xf32, #tpu.memory_space<hbm>>
        tpu.wait_indirect_dma semaphore(%arg18 : memref<!tpu.dma_semaphore, #tpu.memory_space<semaphore_mem>>) src(%dma_wait3A_123 : memref<100000x128xf32, #tpu.memory_space<hbm>>) dst(%arg15 : memref<128x128xf32, #tpu.memory_space<vmem>>)
        %dma_wait3A_124 = arith.constant 0 : i32
        %dma_wait3A_125 = tpu.memref_slice %arg11[%sub3A_75, %dma_wait3A_124] : memref<50x128xi32, #tpu.memory_space<vmem>> -> memref<1x128xi32, #tpu.memory_space<vmem>>
        %dma_wait3A_126 = tpu.memref_squeeze %dma_wait3A_125 : memref<1x128xi32, #tpu.memory_space<vmem>> -> memref<128xi32, #tpu.memory_space<vmem>>
        %dma_wait3A_127 = arith.constant 0 : i32
        %dma_wait3A_128 = arith.constant 0 : i32
        %dma_wait3A_129 = tpu.memref_slice %arg2[%dma_wait3A_127, %dma_wait3A_128] : memref<100000x128xf32, #tpu.memory_space<hbm>> -> memref<100000x128xf32, #tpu.memory_space<hbm>>
        tpu.wait_indirect_dma semaphore(%arg18 : memref<!tpu.dma_semaphore, #tpu.memory_space<semaphore_mem>>) src(%dma_wait3A_129 : memref<100000x128xf32, #tpu.memory_space<hbm>>) dst(%arg15 : memref<128x128xf32, #tpu.memory_space<vmem>>)
        %dma_start3A = arith.constant 0 : i32
        %dma_start3A_130 = arith.constant 0 : i32
        %dma_start3A_131 = tpu.memref_slice %arg13[%dma_start3A, %dma_start3A_130] : memref<3x128xi32, #tpu.memory_space<vmem>> -> memref<1x128xi32, #tpu.memory_space<vmem>>
        %dma_start3A_132 = tpu.memref_squeeze %dma_start3A_131 : memref<1x128xi32, #tpu.memory_space<vmem>> -> memref<128xi32, #tpu.memory_space<vmem>>
        %dma_start3A_133 = arith.constant 0 : i32
        %dma_start3A_134 = arith.constant 0 : i32
        %dma_start3A_135 = tpu.memref_slice %arg8[%dma_start3A_133, %dma_start3A_134] : memref<204800x128xf32, #tpu.memory_space<hbm>> -> memref<204800x128xf32, #tpu.memory_space<hbm>>
        tpu.enqueue_indirect_dma source(%arg15 : memref<128x128xf32, #tpu.memory_space<vmem>>) target(%dma_start3A_135 : memref<204800x128xf32, #tpu.memory_space<hbm>>) offsets(%dma_start3A_132 : memref<128xi32, #tpu.memory_space<vmem>>) semaphore(%arg21 : memref<!tpu.dma_semaphore, #tpu.memory_space<semaphore_mem>>)
      } else {
      }
      %mul3A_84 = arith.constant 3 : i32
      %mul3A_85 = arith.muli %mul3A_84, %scan3A_32 : i32
      %add3A_86 = arith.constant 2 : i32
      %add3A_87 = arith.addi %mul3A_85, %add3A_86 : i32
      %ge3A_88 = arith.constant 3 : i32
      %ge3A_89 = arith.cmpi sge, %add3A_87, %ge3A_88 : i32
      %lt3A_90 = arith.constant 50 : i32
      %lt3A_91 = arith.cmpi slt, %add3A_87, %lt3A_90 : i32
      %and3A_92 = arith.andi %ge3A_89, %lt3A_91 : i1
      %convert_element_type3A_93 = arith.extui %and3A_92 : i1 to i32
      %cond3A_94 = arith.constant 0 : i32
      %cond3A_95 = arith.cmpi ne, %convert_element_type3A_93, %cond3A_94 : i32
      scf.if %cond3A_95 {
        %dma_wait3A_112 = arith.constant 2 : i32
        %dma_wait3A_113 = arith.constant 0 : i32
        %dma_wait3A_114 = tpu.memref_slice %arg13[%dma_wait3A_112, %dma_wait3A_113] : memref<3x128xi32, #tpu.memory_space<vmem>> -> memref<1x128xi32, #tpu.memory_space<vmem>>
        %dma_wait3A_115 = tpu.memref_squeeze %dma_wait3A_114 : memref<1x128xi32, #tpu.memory_space<vmem>> -> memref<128xi32, #tpu.memory_space<vmem>>
        %dma_wait3A_116 = arith.constant 0 : i32
        %dma_wait3A_117 = arith.constant 0 : i32
        %dma_wait3A_118 = tpu.memref_slice %arg8[%dma_wait3A_116, %dma_wait3A_117] : memref<204800x128xf32, #tpu.memory_space<hbm>> -> memref<204800x128xf32, #tpu.memory_space<hbm>>
        tpu.wait_indirect_dma semaphore(%arg23 : memref<!tpu.dma_semaphore, #tpu.memory_space<semaphore_mem>>) src(%arg17 : memref<128x128xf32, #tpu.memory_space<vmem>>) dst(%dma_wait3A_118 : memref<204800x128xf32, #tpu.memory_space<hbm>>)
      } else {
      }
      %lt3A_96 = arith.constant 50 : i32
      %lt3A_97 = arith.cmpi slt, %add3A_87, %lt3A_96 : i32
      %convert_element_type3A_98 = arith.extui %lt3A_97 : i1 to i32
      %cond3A_99 = arith.constant 0 : i32
      %cond3A_100 = arith.cmpi ne, %convert_element_type3A_98, %cond3A_99 : i32
      scf.if %cond3A_100 {
        %mul3A_112 = arith.constant 50 : i32
        %mul3A_113 = arith.muli %add3A, %mul3A_112 : i32
        %add3A_114 = arith.addi %mul3A_113, %add3A_87 : i32
        %jit3A = arith.constant 8 : i32
        %eq3A_115 = arith.constant 0 : i32
        %eq3A_116 = arith.cmpi eq, %jit3A, %eq3A_115 : i32
        %jit3A_117 = arith.constant 1 : i32
        %select_n3A = arith.select %eq3A_116, %jit3A_117, %jit3A : i32
        %rem3A = arith.remsi %add3A_114, %select_n3A : i32
        %ne3A = arith.constant 0 : i32
        %ne3A_118 = arith.cmpi ne, %rem3A, %ne3A : i32
        %lt3A_119 = arith.constant 0 : i32
        %lt3A_120 = arith.cmpi slt, %rem3A, %lt3A_119 : i32
        %lt3A_121 = arith.constant 0 : i32
        %lt3A_122 = arith.cmpi slt, %select_n3A, %lt3A_121 : i32
        %ne3A_123 = arith.xori %lt3A_120, %lt3A_122 : i1
        %and3A_124 = arith.andi %ne3A_123, %ne3A_118 : i1
        %add3A_125 = arith.addi %rem3A, %select_n3A : i32
        %select_n3A_126 = arith.select %and3A_124, %add3A_125, %rem3A : i32
        %mul3A_127 = arith.constant 128 : i32
        %mul3A_128 = arith.muli %select_n3A_126, %mul3A_127 : i32
        %mul3A_129 = arith.constant 200 : i32
        %mul3A_130 = arith.muli %mul3A_128, %mul3A_129 : i32
        %jit3A_131 = arith.constant 8 : i32
        %div3A = arith.divsi %add3A_114, %jit3A_131 : i32
        %sign3A = arith.constant 0 : i32
        %sign3A_132 = arith.cmpi sgt, %add3A_114, %sign3A : i32
        %sign3A_133 = arith.extui %sign3A_132 : i1 to i32
        %sign3A_134 = arith.constant 0 : i32
        %sign3A_135 = arith.cmpi slt, %add3A_114, %sign3A_134 : i32
        %sign3A_136 = arith.extui %sign3A_135 : i1 to i32
        %sign3A_137 = arith.subi %sign3A_133, %sign3A_136 : i32
        %sign3A_138 = arith.constant 0 : i32
        %sign3A_139 = arith.cmpi sgt, %jit3A_131, %sign3A_138 : i32
        %sign3A_140 = arith.extui %sign3A_139 : i1 to i32
        %sign3A_141 = arith.constant 0 : i32
        %sign3A_142 = arith.cmpi slt, %jit3A_131, %sign3A_141 : i32
        %sign3A_143 = arith.extui %sign3A_142 : i1 to i32
        %sign3A_144 = arith.subi %sign3A_140, %sign3A_143 : i32
        %ne3A_145 = arith.cmpi ne, %sign3A_137, %sign3A_144 : i32
        %rem3A_146 = arith.remsi %add3A_114, %jit3A_131 : i32
        %ne3A_147 = arith.constant 0 : i32
        %ne3A_148 = arith.cmpi ne, %rem3A_146, %ne3A_147 : i32
        %and3A_149 = arith.andi %ne3A_145, %ne3A_148 : i1
        %sub3A_150 = arith.constant 1 : i32
        %sub3A_151 = arith.subi %div3A, %sub3A_150 : i32
        %select_n3A_152 = arith.select %and3A_149, %sub3A_151, %div3A : i32
        %add3A_153 = arith.addi %mul3A_130, %select_n3A_152 : i32
        %add3A_154 = arith.constant 0 : i32
        %add3A_155 = arith.addi %add3A_153, %add3A_154 : i32
        %add3A_156 = vector.broadcast %add3A_155 : i32 to vector<16xi32>
        %add3A_157 = arith.addi %mul3A_5, %add3A_156 : vector<16xi32>
        %swap3A = arith.constant 2 : i32
        %swap3A_158 = arith.index_cast %swap3A : i32 to index
        %swap3A_159 = arith.constant 0 : index
        %swap3A_160 = tpu.vector_load %arg13[%swap3A_158, %swap3A_159] {strides = array<i32>} : memref<3x128xi32, #tpu.memory_space<vmem>>, vector<1x16xi32>,
        %swap3A_161 = vector.shape_cast %swap3A_160 : vector<1x16xi32> to vector<16xi32>
        %swap3A_162 = vector.shape_cast %add3A_157 : vector<16xi32> to vector<1x16xi32>
        tpu.vector_store %arg13[%swap3A_158, %swap3A_159], %swap3A_162 {strides = array<i32>} : memref<3x128xi32, #tpu.memory_space<vmem>>, vector<1x16xi32>,
        %add3A_163 = arith.constant 3200 : i32
        %add3A_164 = arith.addi %add3A_153, %add3A_163 : i32
        %add3A_165 = vector.broadcast %add3A_164 : i32 to vector<16xi32>
        %add3A_166 = arith.addi %mul3A_5, %add3A_165 : vector<16xi32>
        %swap3A_167 = arith.constant 2 : i32
        %swap3A_168 = arith.index_cast %swap3A_167 : i32 to index
        %swap3A_169 = arith.constant 16 : index
        %swap3A_170 = tpu.vector_load %arg13[%swap3A_168, %swap3A_169] {strides = array<i32>} : memref<3x128xi32, #tpu.memory_space<vmem>>, vector<1x16xi32>,
        %swap3A_171 = vector.shape_cast %swap3A_170 : vector<1x16xi32> to vector<16xi32>
        %swap3A_172 = vector.shape_cast %add3A_166 : vector<16xi32> to vector<1x16xi32>
        tpu.vector_store %arg13[%swap3A_168, %swap3A_169], %swap3A_172 {strides = array<i32>} : memref<3x128xi32, #tpu.memory_space<vmem>>, vector<1x16xi32>,
        %add3A_173 = arith.constant 6400 : i32
        %add3A_174 = arith.addi %add3A_153, %add3A_173 : i32
        %add3A_175 = vector.broadcast %add3A_174 : i32 to vector<16xi32>
        %add3A_176 = arith.addi %mul3A_5, %add3A_175 : vector<16xi32>
        %swap3A_177 = arith.constant 2 : i32
        %swap3A_178 = arith.index_cast %swap3A_177 : i32 to index
        %swap3A_179 = arith.constant 32 : index
        %swap3A_180 = tpu.vector_load %arg13[%swap3A_178, %swap3A_179] {strides = array<i32>} : memref<3x128xi32, #tpu.memory_space<vmem>>, vector<1x16xi32>,
        %swap3A_181 = vector.shape_cast %swap3A_180 : vector<1x16xi32> to vector<16xi32>
        %swap3A_182 = vector.shape_cast %add3A_176 : vector<16xi32> to vector<1x16xi32>
        tpu.vector_store %arg13[%swap3A_178, %swap3A_179], %swap3A_182 {strides = array<i32>} : memref<3x128xi32, #tpu.memory_space<vmem>>, vector<1x16xi32>,
        %add3A_183 = arith.constant 9600 : i32
        %add3A_184 = arith.addi %add3A_153, %add3A_183 : i32
        %add3A_185 = vector.broadcast %add3A_184 : i32 to vector<16xi32>
        %add3A_186 = arith.addi %mul3A_5, %add3A_185 : vector<16xi32>
        %swap3A_187 = arith.constant 2 : i32
        %swap3A_188 = arith.index_cast %swap3A_187 : i32 to index
        %swap3A_189 = arith.constant 48 : index
        %swap3A_190 = tpu.vector_load %arg13[%swap3A_188, %swap3A_189] {strides = array<i32>} : memref<3x128xi32, #tpu.memory_space<vmem>>, vector<1x16xi32>,
        %swap3A_191 = vector.shape_cast %swap3A_190 : vector<1x16xi32> to vector<16xi32>
        %swap3A_192 = vector.shape_cast %add3A_186 : vector<16xi32> to vector<1x16xi32>
        tpu.vector_store %arg13[%swap3A_188, %swap3A_189], %swap3A_192 {strides = array<i32>} : memref<3x128xi32, #tpu.memory_space<vmem>>, vector<1x16xi32>,
        %add3A_193 = arith.constant 12800 : i32
        %add3A_194 = arith.addi %add3A_153, %add3A_193 : i32
        %add3A_195 = vector.broadcast %add3A_194 : i32 to vector<16xi32>
        %add3A_196 = arith.addi %mul3A_5, %add3A_195 : vector<16xi32>
        %swap3A_197 = arith.constant 2 : i32
        %swap3A_198 = arith.index_cast %swap3A_197 : i32 to index
        %swap3A_199 = arith.constant 64 : index
        %swap3A_200 = tpu.vector_load %arg13[%swap3A_198, %swap3A_199] {strides = array<i32>} : memref<3x128xi32, #tpu.memory_space<vmem>>, vector<1x16xi32>,
        %swap3A_201 = vector.shape_cast %swap3A_200 : vector<1x16xi32> to vector<16xi32>
        %swap3A_202 = vector.shape_cast %add3A_196 : vector<16xi32> to vector<1x16xi32>
        tpu.vector_store %arg13[%swap3A_198, %swap3A_199], %swap3A_202 {strides = array<i32>} : memref<3x128xi32, #tpu.memory_space<vmem>>, vector<1x16xi32>,
        %add3A_203 = arith.constant 16000 : i32
        %add3A_204 = arith.addi %add3A_153, %add3A_203 : i32
        %add3A_205 = vector.broadcast %add3A_204 : i32 to vector<16xi32>
        %add3A_206 = arith.addi %mul3A_5, %add3A_205 : vector<16xi32>
        %swap3A_207 = arith.constant 2 : i32
        %swap3A_208 = arith.index_cast %swap3A_207 : i32 to index
        %swap3A_209 = arith.constant 80 : index
        %swap3A_210 = tpu.vector_load %arg13[%swap3A_208, %swap3A_209] {strides = array<i32>} : memref<3x128xi32, #tpu.memory_space<vmem>>, vector<1x16xi32>,
        %swap3A_211 = vector.shape_cast %swap3A_210 : vector<1x16xi32> to vector<16xi32>
        %swap3A_212 = vector.shape_cast %add3A_206 : vector<16xi32> to vector<1x16xi32>
        tpu.vector_store %arg13[%swap3A_208, %swap3A_209], %swap3A_212 {strides = array<i32>} : memref<3x128xi32, #tpu.memory_space<vmem>>, vector<1x16xi32>,
        %add3A_213 = arith.constant 19200 : i32
        %add3A_214 = arith.addi %add3A_153, %add3A_213 : i32
        %add3A_215 = vector.broadcast %add3A_214 : i32 to vector<16xi32>
        %add3A_216 = arith.addi %mul3A_5, %add3A_215 : vector<16xi32>
        %swap3A_217 = arith.constant 2 : i32
        %swap3A_218 = arith.index_cast %swap3A_217 : i32 to index
        %swap3A_219 = arith.constant 96 : index
        %swap3A_220 = tpu.vector_load %arg13[%swap3A_218, %swap3A_219] {strides = array<i32>} : memref<3x128xi32, #tpu.memory_space<vmem>>, vector<1x16xi32>,
        %swap3A_221 = vector.shape_cast %swap3A_220 : vector<1x16xi32> to vector<16xi32>
        %swap3A_222 = vector.shape_cast %add3A_216 : vector<16xi32> to vector<1x16xi32>
        tpu.vector_store %arg13[%swap3A_218, %swap3A_219], %swap3A_222 {strides = array<i32>} : memref<3x128xi32, #tpu.memory_space<vmem>>, vector<1x16xi32>,
        %add3A_223 = arith.constant 22400 : i32
        %add3A_224 = arith.addi %add3A_153, %add3A_223 : i32
        %add3A_225 = vector.broadcast %add3A_224 : i32 to vector<16xi32>
        %add3A_226 = arith.addi %mul3A_5, %add3A_225 : vector<16xi32>
        %swap3A_227 = arith.constant 2 : i32
        %swap3A_228 = arith.index_cast %swap3A_227 : i32 to index
        %swap3A_229 = arith.constant 112 : index
        %swap3A_230 = tpu.vector_load %arg13[%swap3A_228, %swap3A_229] {strides = array<i32>} : memref<3x128xi32, #tpu.memory_space<vmem>>, vector<1x16xi32>,
        %swap3A_231 = vector.shape_cast %swap3A_230 : vector<1x16xi32> to vector<16xi32>
        %swap3A_232 = vector.shape_cast %add3A_226 : vector<16xi32> to vector<1x16xi32>
        tpu.vector_store %arg13[%swap3A_228, %swap3A_229], %swap3A_232 {strides = array<i32>} : memref<3x128xi32, #tpu.memory_space<vmem>>, vector<1x16xi32>,
        %dma_start3A = arith.constant 0 : i32
        %dma_start3A_233 = tpu.memref_slice %arg12[%add3A_87, %dma_start3A] : memref<50x128xi32, #tpu.memory_space<vmem>> -> memref<1x128xi32, #tpu.memory_space<vmem>>
        %dma_start3A_234 = tpu.memref_squeeze %dma_start3A_233 : memref<1x128xi32, #tpu.memory_space<vmem>> -> memref<128xi32, #tpu.memory_space<vmem>>
        %dma_start3A_235 = arith.constant 0 : i32
        %dma_start3A_236 = arith.constant 0 : i32
        %dma_start3A_237 = tpu.memref_slice %arg14[%dma_start3A_235, %dma_start3A_236] : memref<201x128xf32, #tpu.memory_space<vmem_shared>> -> memref<201x128xf32, #tpu.memory_space<vmem_shared>>
        tpu.enqueue_indirect_dma source(%dma_start3A_237 : memref<201x128xf32, #tpu.memory_space<vmem_shared>>) target(%arg17 : memref<128x128xf32, #tpu.memory_space<vmem>>) offsets(%dma_start3A_234 : memref<128xi32, #tpu.memory_space<vmem>>) semaphore(%arg20 : memref<!tpu.dma_semaphore, #tpu.memory_space<semaphore_mem>>)
        %dma_wait3A_238 = arith.constant 0 : i32
        %dma_wait3A_239 = tpu.memref_slice %arg12[%add3A_87, %dma_wait3A_238] : memref<50x128xi32, #tpu.memory_space<vmem>> -> memref<1x128xi32, #tpu.memory_space<vmem>>
        %dma_wait3A_240 = tpu.memref_squeeze %dma_wait3A_239 : memref<1x128xi32, #tpu.memory_space<vmem>> -> memref<128xi32, #tpu.memory_space<vmem>>
        %dma_wait3A_241 = arith.constant 0 : i32
        %dma_wait3A_242 = arith.constant 0 : i32
        %dma_wait3A_243 = tpu.memref_slice %arg14[%dma_wait3A_241, %dma_wait3A_242] : memref<201x128xf32, #tpu.memory_space<vmem_shared>> -> memref<201x128xf32, #tpu.memory_space<vmem_shared>>
        tpu.wait_indirect_dma semaphore(%arg20 : memref<!tpu.dma_semaphore, #tpu.memory_space<semaphore_mem>>) src(%dma_wait3A_243 : memref<201x128xf32, #tpu.memory_space<vmem_shared>>) dst(%arg17 : memref<128x128xf32, #tpu.memory_space<vmem>>)
        %dma_start3A_244 = arith.constant 0 : i32
        %dma_start3A_245 = tpu.memref_slice %arg9[%add3A_87, %dma_start3A_244] : memref<50x128xi32, #tpu.memory_space<vmem>> -> memref<1x128xi32, #tpu.memory_space<vmem>>
        %dma_start3A_246 = tpu.memref_squeeze %dma_start3A_245 : memref<1x128xi32, #tpu.memory_space<vmem>> -> memref<128xi32, #tpu.memory_space<vmem>>
        %dma_start3A_247 = arith.constant 0 : i32
        %dma_start3A_248 = arith.constant 0 : i32
        %dma_start3A_249 = tpu.memref_slice %arg2[%dma_start3A_247, %dma_start3A_248] : memref<100000x128xf32, #tpu.memory_space<hbm>> -> memref<100000x128xf32, #tpu.memory_space<hbm>>
        tpu.enqueue_indirect_dma source(%dma_start3A_249 : memref<100000x128xf32, #tpu.memory_space<hbm>>) target(%arg17 : memref<128x128xf32, #tpu.memory_space<vmem>>) offsets(%dma_start3A_246 : memref<128xi32, #tpu.memory_space<vmem>>) semaphore(%arg20 : memref<!tpu.dma_semaphore, #tpu.memory_space<semaphore_mem>>) {add = true}
        %dma_start3A_250 = arith.constant 0 : i32
        %dma_start3A_251 = tpu.memref_slice %arg10[%add3A_87, %dma_start3A_250] : memref<50x128xi32, #tpu.memory_space<vmem>> -> memref<1x128xi32, #tpu.memory_space<vmem>>
        %dma_start3A_252 = tpu.memref_squeeze %dma_start3A_251 : memref<1x128xi32, #tpu.memory_space<vmem>> -> memref<128xi32, #tpu.memory_space<vmem>>
        %dma_start3A_253 = arith.constant 0 : i32
        %dma_start3A_254 = arith.constant 0 : i32
        %dma_start3A_255 = tpu.memref_slice %arg2[%dma_start3A_253, %dma_start3A_254] : memref<100000x128xf32, #tpu.memory_space<hbm>> -> memref<100000x128xf32, #tpu.memory_space<hbm>>
        tpu.enqueue_indirect_dma source(%dma_start3A_255 : memref<100000x128xf32, #tpu.memory_space<hbm>>) target(%arg17 : memref<128x128xf32, #tpu.memory_space<vmem>>) offsets(%dma_start3A_252 : memref<128xi32, #tpu.memory_space<vmem>>) semaphore(%arg20 : memref<!tpu.dma_semaphore, #tpu.memory_space<semaphore_mem>>) {add = true}
        %dma_start3A_256 = arith.constant 0 : i32
        %dma_start3A_257 = tpu.memref_slice %arg11[%add3A_87, %dma_start3A_256] : memref<50x128xi32, #tpu.memory_space<vmem>> -> memref<1x128xi32, #tpu.memory_space<vmem>>
        %dma_start3A_258 = tpu.memref_squeeze %dma_start3A_257 : memref<1x128xi32, #tpu.memory_space<vmem>> -> memref<128xi32, #tpu.memory_space<vmem>>
        %dma_start3A_259 = arith.constant 0 : i32
        %dma_start3A_260 = arith.constant 0 : i32
        %dma_start3A_261 = tpu.memref_slice %arg2[%dma_start3A_259, %dma_start3A_260] : memref<100000x128xf32, #tpu.memory_space<hbm>> -> memref<100000x128xf32, #tpu.memory_space<hbm>>
        tpu.enqueue_indirect_dma source(%dma_start3A_261 : memref<100000x128xf32, #tpu.memory_space<hbm>>) target(%arg17 : memref<128x128xf32, #tpu.memory_space<vmem>>) offsets(%dma_start3A_258 : memref<128xi32, #tpu.memory_space<vmem>>) semaphore(%arg20 : memref<!tpu.dma_semaphore, #tpu.memory_space<semaphore_mem>>) {add = true}
      } else {
      }
      %sub3A_101 = arith.constant 1 : i32
      %sub3A_102 = arith.subi %add3A_87, %sub3A_101 : i32
      %ge3A_103 = arith.constant 0 : i32
      %ge3A_104 = arith.cmpi sge, %sub3A_102, %ge3A_103 : i32
      %lt3A_105 = arith.constant 50 : i32
      %lt3A_106 = arith.cmpi slt, %sub3A_102, %lt3A_105 : i32
      %and3A_107 = arith.andi %ge3A_104, %lt3A_106 : i1
      %convert_element_type3A_108 = arith.extui %and3A_107 : i1 to i32
      %cond3A_109 = arith.constant 0 : i32
      %cond3A_110 = arith.cmpi ne, %convert_element_type3A_108, %cond3A_109 : i32
      scf.if %cond3A_110 {
        %dma_wait3A_112 = arith.constant 0 : i32
        %dma_wait3A_113 = tpu.memref_slice %arg9[%sub3A_102, %dma_wait3A_112] : memref<50x128xi32, #tpu.memory_space<vmem>> -> memref<1x128xi32, #tpu.memory_space<vmem>>
        %dma_wait3A_114 = tpu.memref_squeeze %dma_wait3A_113 : memref<1x128xi32, #tpu.memory_space<vmem>> -> memref<128xi32, #tpu.memory_space<vmem>>
        %dma_wait3A_115 = arith.constant 0 : i32
        %dma_wait3A_116 = arith.constant 0 : i32
        %dma_wait3A_117 = tpu.memref_slice %arg2[%dma_wait3A_115, %dma_wait3A_116] : memref<100000x128xf32, #tpu.memory_space<hbm>> -> memref<100000x128xf32, #tpu.memory_space<hbm>>
        tpu.wait_indirect_dma semaphore(%arg19 : memref<!tpu.dma_semaphore, #tpu.memory_space<semaphore_mem>>) src(%dma_wait3A_117 : memref<100000x128xf32, #tpu.memory_space<hbm>>) dst(%arg16 : memref<128x128xf32, #tpu.memory_space<vmem>>)
        %dma_wait3A_118 = arith.constant 0 : i32
        %dma_wait3A_119 = tpu.memref_slice %arg10[%sub3A_102, %dma_wait3A_118] : memref<50x128xi32, #tpu.memory_space<vmem>> -> memref<1x128xi32, #tpu.memory_space<vmem>>
        %dma_wait3A_120 = tpu.memref_squeeze %dma_wait3A_119 : memref<1x128xi32, #tpu.memory_space<vmem>> -> memref<128xi32, #tpu.memory_space<vmem>>
        %dma_wait3A_121 = arith.constant 0 : i32
        %dma_wait3A_122 = arith.constant 0 : i32
        %dma_wait3A_123 = tpu.memref_slice %arg2[%dma_wait3A_121, %dma_wait3A_122] : memref<100000x128xf32, #tpu.memory_space<hbm>> -> memref<100000x128xf32, #tpu.memory_space<hbm>>
        tpu.wait_indirect_dma semaphore(%arg19 : memref<!tpu.dma_semaphore, #tpu.memory_space<semaphore_mem>>) src(%dma_wait3A_123 : memref<100000x128xf32, #tpu.memory_space<hbm>>) dst(%arg16 : memref<128x128xf32, #tpu.memory_space<vmem>>)
        %dma_wait3A_124 = arith.constant 0 : i32
        %dma_wait3A_125 = tpu.memref_slice %arg11[%sub3A_102, %dma_wait3A_124] : memref<50x128xi32, #tpu.memory_space<vmem>> -> memref<1x128xi32, #tpu.memory_space<vmem>>
        %dma_wait3A_126 = tpu.memref_squeeze %dma_wait3A_125 : memref<1x128xi32, #tpu.memory_space<vmem>> -> memref<128xi32, #tpu.memory_space<vmem>>
        %dma_wait3A_127 = arith.constant 0 : i32
        %dma_wait3A_128 = arith.constant 0 : i32
        %dma_wait3A_129 = tpu.memref_slice %arg2[%dma_wait3A_127, %dma_wait3A_128] : memref<100000x128xf32, #tpu.memory_space<hbm>> -> memref<100000x128xf32, #tpu.memory_space<hbm>>
        tpu.wait_indirect_dma semaphore(%arg19 : memref<!tpu.dma_semaphore, #tpu.memory_space<semaphore_mem>>) src(%dma_wait3A_129 : memref<100000x128xf32, #tpu.memory_space<hbm>>) dst(%arg16 : memref<128x128xf32, #tpu.memory_space<vmem>>)
        %dma_start3A = arith.constant 1 : i32
        %dma_start3A_130 = arith.constant 0 : i32
        %dma_start3A_131 = tpu.memref_slice %arg13[%dma_start3A, %dma_start3A_130] : memref<3x128xi32, #tpu.memory_space<vmem>> -> memref<1x128xi32, #tpu.memory_space<vmem>>
        %dma_start3A_132 = tpu.memref_squeeze %dma_start3A_131 : memref<1x128xi32, #tpu.memory_space<vmem>> -> memref<128xi32, #tpu.memory_space<vmem>>
        %dma_start3A_133 = arith.constant 0 : i32
        %dma_start3A_134 = arith.constant 0 : i32
        %dma_start3A_135 = tpu.memref_slice %arg8[%dma_start3A_133, %dma_start3A_134] : memref<204800x128xf32, #tpu.memory_space<hbm>> -> memref<204800x128xf32, #tpu.memory_space<hbm>>
        tpu.enqueue_indirect_dma source(%arg16 : memref<128x128xf32, #tpu.memory_space<vmem>>) target(%dma_start3A_135 : memref<204800x128xf32, #tpu.memory_space<hbm>>) offsets(%dma_start3A_132 : memref<128xi32, #tpu.memory_space<vmem>>) semaphore(%arg22 : memref<!tpu.dma_semaphore, #tpu.memory_space<semaphore_mem>>)
      } else {
      }
      %scan3A_111 = arith.constant 0 : i32
      scf.yield %scan3A_111 : i32
    }
    %scan3A_11 = arith.constant 17 : i32
    %dma_wait3A = arith.constant 2 : i32
    %dma_wait3A_12 = arith.constant 0 : i32
    %dma_wait3A_13 = tpu.memref_slice %arg13[%dma_wait3A, %dma_wait3A_12] : memref<3x128xi32, #tpu.memory_space<vmem>> -> memref<1x128xi32, #tpu.memory_space<vmem>>
    %dma_wait3A_14 = tpu.memref_squeeze %dma_wait3A_13 : memref<1x128xi32, #tpu.memory_space<vmem>> -> memref<128xi32, #tpu.memory_space<vmem>>
    %dma_wait3A_15 = arith.constant 0 : i32
    %dma_wait3A_16 = arith.constant 0 : i32
    %dma_wait3A_17 = tpu.memref_slice %arg8[%dma_wait3A_15, %dma_wait3A_16] : memref<204800x128xf32, #tpu.memory_space<hbm>> -> memref<204800x128xf32, #tpu.memory_space<hbm>>
    tpu.wait_indirect_dma semaphore(%arg23 : memref<!tpu.dma_semaphore, #tpu.memory_space<semaphore_mem>>) src(%arg17 : memref<128x128xf32, #tpu.memory_space<vmem>>) dst(%dma_wait3A_17 : memref<204800x128xf32, #tpu.memory_space<hbm>>)
    %dma_wait3A_18 = arith.constant 0 : i32
    %dma_wait3A_19 = arith.constant 0 : i32
    %dma_wait3A_20 = tpu.memref_slice %arg13[%dma_wait3A_18, %dma_wait3A_19] : memref<3x128xi32, #tpu.memory_space<vmem>> -> memref<1x128xi32, #tpu.memory_space<vmem>>
    %dma_wait3A_21 = tpu.memref_squeeze %dma_wait3A_20 : memref<1x128xi32, #tpu.memory_space<vmem>> -> memref<128xi32, #tpu.memory_space<vmem>>
    %dma_wait3A_22 = arith.constant 0 : i32
    %dma_wait3A_23 = arith.constant 0 : i32
    %dma_wait3A_24 = tpu.memref_slice %arg8[%dma_wait3A_22, %dma_wait3A_23] : memref<204800x128xf32, #tpu.memory_space<hbm>> -> memref<204800x128xf32, #tpu.memory_space<hbm>>
    tpu.wait_indirect_dma semaphore(%arg21 : memref<!tpu.dma_semaphore, #tpu.memory_space<semaphore_mem>>) src(%arg15 : memref<128x128xf32, #tpu.memory_space<vmem>>) dst(%dma_wait3A_24 : memref<204800x128xf32, #tpu.memory_space<hbm>>)
    %dma_wait3A_25 = arith.constant 1 : i32
    %dma_wait3A_26 = arith.constant 0 : i32
    %dma_wait3A_27 = tpu.memref_slice %arg13[%dma_wait3A_25, %dma_wait3A_26] : memref<3x128xi32, #tpu.memory_space<vmem>> -> memref<1x128xi32, #tpu.memory_space<vmem>>
    %dma_wait3A_28 = tpu.memref_squeeze %dma_wait3A_27 : memref<1x128xi32, #tpu.memory_space<vmem>> -> memref<128xi32, #tpu.memory_space<vmem>>
    %dma_wait3A_29 = arith.constant 0 : i32
    %dma_wait3A_30 = arith.constant 0 : i32
    %dma_wait3A_31 = tpu.memref_slice %arg8[%dma_wait3A_29, %dma_wait3A_30] : memref<204800x128xf32, #tpu.memory_space<hbm>> -> memref<204800x128xf32, #tpu.memory_space<hbm>>
    tpu.wait_indirect_dma semaphore(%arg22 : memref<!tpu.dma_semaphore, #tpu.memory_space<semaphore_mem>>) src(%arg16 : memref<128x128xf32, #tpu.memory_space<vmem>>) dst(%dma_wait3A_31 : memref<204800x128xf32, #tpu.memory_space<hbm>>)
    return
  }
}

module attributes {stable_mosaic.version = 14 : i64} {
  func.func @_mm_body(%arg0: i32, %arg1: memref<1024x2048xf32, #tpu.memory_space<vmem>>, %arg2: memref<2048x128xf32, #tpu.memory_space<vmem>>, %arg3: memref<1024x128xf32, #tpu.memory_space<vmem>>, %arg4: memref<1024x128xf32, #tpu.memory_space<vmem>>) attributes {dimension_semantics = [#tpu.dimension_semantics<arbitrary>], iteration_bounds = array<i64: 20>, scalar_prefetch = 0 : i64, scratch_operands = 0 : i64, tpu.core_type = #tpu.core_type<tc>, window_params = [{transform_indices = @transform_0, window_bounds = array<i64: 1024, 2048>}, {pipeline_mode = #tpu.pipeline_mode<synchronous>, transform_indices = @transform_1, window_bounds = array<i64: 2048, 128>}, {transform_indices = @transform_2, window_bounds = array<i64: 1024, 128>}, {transform_indices = @transform_3, window_bounds = array<i64: 1024, 128>}]} {
    %get3A = arith.constant 0 : index
    %get3A_0 = arith.constant 0 : index
    %get3A_1 = vector.load %arg1[%get3A, %get3A_0] : memref<1024x2048xf32, #tpu.memory_space<vmem>>, vector<1024x2048xf32>
    %get3A_2 = arith.constant 0 : index
    %get3A_3 = arith.constant 0 : index
    %get3A_4 = vector.load %arg2[%get3A_2, %get3A_3] : memref<2048x128xf32, #tpu.memory_space<vmem>>, vector<2048x128xf32>
    %dot_general3A = arith.constant dense<0.000000e+00> : vector<1024x128xf32>
    %dot_general3A_5 = tpu.matmul %get3A_1, %get3A_4, %dot_general3A {dimension_numbers = #tpu.dot_dimension_numbers<[1], [0], [0], [1], [0, 0, 1, 1], [], []>, transpose_lhs_hint = false} : vector<1024x2048xf32>, vector<2048x128xf32>, vector<1024x128xf32> -> vector<1024x128xf32>
    %get3A_6 = arith.constant 0 : index
    %get3A_7 = arith.constant 0 : index
    %get3A_8 = vector.load %arg3[%get3A_6, %get3A_7] : memref<1024x128xf32, #tpu.memory_space<vmem>>, vector<1024x128xf32>
    %add3A = arith.addf %dot_general3A_5, %get3A_8 : vector<1024x128xf32>
    %swap3A = arith.constant 0 : index
    %swap3A_9 = arith.constant 0 : index
    %swap3A_10 = vector.load %arg4[%swap3A, %swap3A_9] : memref<1024x128xf32, #tpu.memory_space<vmem>>, vector<1024x128xf32>
    tpu.vector_store %arg4[%swap3A, %swap3A_9], %add3A {strides = array<i32>} : memref<1024x128xf32, #tpu.memory_space<vmem>>, vector<1024x128xf32>,
    return
  }
  func.func @transform_0(%arg0: i32) -> (i32, i32) {
    %c0_i32 = arith.constant 0 : i32
    %c0_i32_0 = arith.constant 0 : i32
    return %arg0, %c0_i32 : i32, i32
  }
  func.func @transform_1(%arg0: i32) -> (i32, i32) {
    %c0_i32 = arith.constant 0 : i32
    %c0_i32_0 = arith.constant 0 : i32
    %c0_i32_1 = arith.constant 0 : i32
    return %c0_i32, %c0_i32_0 : i32, i32
  }
  func.func @transform_2(%arg0: i32) -> (i32, i32) {
    %c0_i32 = arith.constant 0 : i32
    %c0_i32_0 = arith.constant 0 : i32
    return %arg0, %c0_i32 : i32, i32
  }
  func.func @transform_3(%arg0: i32) -> (i32, i32) {
    %c0_i32 = arith.constant 0 : i32
    %c0_i32_0 = arith.constant 0 : i32
    return %arg0, %c0_i32 : i32, i32
  }
}

</mosaic_0001>

<sc_bundles>
// kernel: kernel.5.cloned.1.call-start
scs
__scs_entry_jumppad:
0x0: {  	(pc) =	sbr.rel $0x88, $3  }
0x1: {  	(tag) =	ssettag $0x0;
	lr =	simm.s32 $0x1  }
0x2: {  	[smem:$0x3F96] =	sst lr;
	_ =	strace $0xD0000000  }
0x3: {  	_ = 	snop  }
0x4: {  	_ = 	snop  }
0x5: {  	_ = 	snop  }
0x6: {  	_ = 	snop  }
0x7: {  	_ = 	snop  }
__scs_overlays_trampoline_lowered:
0x8: {  	[smem:$0x3FA5] =	sst s0  }
0x9: {  	[smem:$0x3FA6] =	sst s1  }
0xa: {  	[smem:$0x3FA7] =	sst s2  }
0xb: {  	[smem:$0x3FA8] =	sst s3  }
0xc: {  	[smem:$0x3FA9] =	sst s4  }
0xd: {  	[smem:$0x3FAA] =	sst s5  }
0xe: {  	[smem:$0x3FAB] =	sst s6  }
0xf: {  	[smem:$0x3FAC] =	sst s7  }
0x10: {  	[smem:$0x3FAD] =	sst s8  }
0x11: {  	[smem:$0x3FAE] =	sst s9;
	s0 =	simm.s32 @!p0 $0x0  }
0x12: {  	s1 =	sld [smem:$0x3F94];
	s0 =	simm.s32 @p0 $0x1  }
0x13: {  	[smem:$0x3FAF] =	sst s0;
	s0 =	simm.s32 @!p1 $0x0  }
0x14: {  	s2 =	sld [smem:$0x3F93];
	s0 =	simm.s32 @p1 $0x1  }
0x15: {  	[smem:$0x3FB0] =	sst s0;
	s0 =	simm.s32 @!p2 $0x0  }
0x16: {  	s3 =	sld [smem:$0x3FDB];
	s0 =	simm.s32 @p2 $0x1  }
0x17: {  	s4 =	simm.s32 $0x1BF5;
	[smem:$0x3FB2] =	sst s0  }
0x18: {  	s0 =	sld [smem:$0x3F95];
	_ =	swait.ge [sflag:s4], $0x0  }
0x19: {  	s7 =	sld [smem:$0x3F96]  }
0x1a: {  	s8 =	sadd.s32 $0xFFFFE003, lr  }
0x1b: {  	s9 =	sadd.s32 $0xFFFFFEF7, lr;
	s5 =	simm.s32 $0xFFFFFFFF;
	p2 =	slt.u32 s8, $0xFFFFF086  }
0x1c: {  	p1 =	slt.u32 s9, $0xF7A;
	s5 =	simm.s32 @!p2 $0x0  }
0x1d: {  	s5 =	simm.s32 @p1 $0x1;
	p0 =	seq.s32 s7, s2  }
0x1e: {  	s7 =	smul.u32 @!p0 $0xF7A, s2;
	p2 =	seq.s32 @!p0 s5, $0x0  }
0x1f: {  	s9 =	smul.u32 $0xF7A, s1;
	s8 =	simm.s32 @!p0 $0x1BF5;
	p2 =	por !p2, p0  }
0x20: {  	[sflag:s8] =	ssyncset.s32 @!p0 $0xFFFFF086;
	s6 =	sadd.s32 @!p0 s3, s7;
	s7 =	simm.s32 @!p0 $0x108  }
0x21: {  	s3 =	sadd.s32 s3, s9;
	s6 =	sadd.s32 @!p0 $0x88, s6;
	s7 =	simm.s32 @p2 $0x1082  }
0x22: {  	[simem:s7], [sflag:s8] =	dma.local @!p0 [hbm:s6], $0xF7A  }
0x23: {  	s9 =	sor.u32 $0xD0000000, s2;
	s6 =	simm.s32 $0x108;
	_ =	swait.ge @!p0 [sflag:s8], $0x0  }
0x24: {  	s3 =	sadd.s32 $0x88, s3;
	s6 =	simm.s32 @!p1 $0x1082;
	[sflag:s4] =	ssyncset.s32 $0xFFFFF086  }
0x25: {  	[simem:s6], [sflag:s4] =	dma.local [hbm:s3], $0xF7A  }
0x26: {  	[smem:$0x3F96] =	sst s1;
	(tag) =	ssettag s2;
	_ =	strace s9  }
0x27: {  	s1 =	sld [smem:$0x3FA6]  }
0x28: {  	s2 =	sld [smem:$0x3FA7]  }
0x29: {  	s4 =	sld [smem:$0x3FA9]  }
0x2a: {  	p0 =	seq.s32 s5, $0x0;
	s5 =	sld [smem:$0x3FAA]  }
0x2b: {  	s6 =	sld [smem:$0x3FAB]  }
0x2c: {  	s7 =	sld [smem:$0x3FAC]  }
0x2d: {  	s3 =	simm.s32 $0x108;
	s8 =	sld [smem:$0x3FAD]  }
0x2e: {  	s3 =	simm.s32 @!p0 $0x1082;
	s9 =	sld [smem:$0x3FAE]  }
0x2f: {  	lr =	sadd.s32 s0, s3;
	s0 =	sld [smem:$0x3FA5]  }
0x30: {  	s3 =	sld [smem:$0x3FA8]  }
0x31: {  	[smem:$0x3FB1] =	sst s10  }
0x32: {  	s10 =	sld [smem:$0x3FAF];
	_ =	sdelay $0x3  }
0x33: {  	p0 =	seq.s32 s10, $0x1;
	s10 =	sld [smem:$0x3FB1];
	_ =	sdelay $0x3  }
0x34: {  	[smem:$0x3FB1] =	sst s10  }
0x35: {  	s10 =	sld [smem:$0x3FB0];
	_ =	sdelay $0x3  }
0x36: {  	p1 =	seq.s32 s10, $0x1;
	s10 =	sld [smem:$0x3FB1];
	_ =	sdelay $0x3  }
0x37: {  	[smem:$0x3FB1] =	sst s10  }
0x38: {  	s10 =	sld [smem:$0x3FB2]  }
0x39: {  	_ = 	snop;
	(pc) =	sbr.ind lr, $3  }
0x3a: {  	_ = 	snop  }
0x3b: {  	_ = 	snop  }
0x3c: {  	p2 =	seq.s32 s10, $0x1;
	s10 =	sld [smem:$0x3FB1]  }
0x3d: {  	_ =	shalt  }
0x3e: {  	_ =	shalt  }
0x3f: {  	_ =	shalt  }
0x40: {  	_ =	shalt  }
0x41: {  	_ =	shalt  }
0x42: {  	_ =	shalt  }
0x43: {  	_ =	shalt  }
0x44: {  	_ =	shalt  }
0x45: {  	_ =	shalt  }
0x46: {  	_ =	shalt  }
0x47: {  	_ =	shalt  }
0x48: {  	_ =	shalt  }
0x49: {  	_ =	shalt  }
0x4a: {  	_ =	shalt  }
0x4b: {  	_ =	shalt  }
0x4c: {  	_ =	shalt  }
0x4d: {  	_ =	shalt  }
0x4e: {  	_ =	shalt  }
0x4f: {  	_ =	shalt  }
0x50: {  	_ =	shalt  }
0x51: {  	_ =	shalt  }
0x52: {  	_ =	shalt  }
0x53: {  	_ =	shalt  }
0x54: {  	_ =	shalt  }
0x55: {  	_ =	shalt  }
0x56: {  	_ =	shalt  }
0x57: {  	_ =	shalt  }
0x58: {  	_ =	shalt  }
0x59: {  	_ =	shalt  }
0x5a: {  	_ =	shalt  }
0x5b: {  	_ =	shalt  }
0x5c: {  	_ =	shalt  }
0x5d: {  	_ =	shalt  }
0x5e: {  	_ =	shalt  }
0x5f: {  	_ =	shalt  }
0x60: {  	_ =	shalt  }
0x61: {  	_ =	shalt  }
0x62: {  	_ =	shalt  }
0x63: {  	_ =	shalt  }
0x64: {  	_ =	shalt  }
0x65: {  	_ =	shalt  }
0x66: {  	_ =	shalt  }
0x67: {  	_ =	shalt  }
0x68: {  	_ =	shalt  }
0x69: {  	_ =	shalt  }
0x6a: {  	_ =	shalt  }
0x6b: {  	_ =	shalt  }
0x6c: {  	_ =	shalt  }
0x6d: {  	_ =	shalt  }
0x6e: {  	_ =	shalt  }
0x6f: {  	_ =	shalt  }
0x70: {  	_ =	shalt  }
0x71: {  	_ =	shalt  }
0x72: {  	_ =	shalt  }
0x73: {  	_ =	shalt  }
0x74: {  	_ =	shalt  }
0x75: {  	_ =	shalt  }
0x76: {  	_ =	shalt  }
0x77: {  	_ =	shalt  }
0x78: {  	_ =	shalt  }
0x79: {  	_ =	shalt  }
0x7a: {  	_ =	shalt  }
0x7b: {  	_ =	shalt  }
0x7c: {  	_ =	shalt  }
0x7d: {  	_ =	shalt  }
0x7e: {  	_ =	shalt  }
0x7f: {  	_ =	shalt  }
0x80: {  	_ =	shalt  }
0x81: {  	_ =	shalt  }
0x82: {  	_ =	shalt  }
0x83: {  	_ =	shalt  }
0x84: {  	_ =	shalt  }
0x85: {  	_ =	shalt  }
0x86: {  	_ =	shalt  }
0x87: {  	_ =	shalt  }
.Lfunc_end0:
.L_simem_size_0:
called_computation_lowered:
.L_overlay_start_0:
0x88: {  	s2 =	sld [smem:$0x3FD9]  }
0x89: {  	s3 =	sld [smem:$0x3FFE];
	_ =	sdelay $0x1  }
0x8a: {  	s1 =	srdreg.scid  }
0x8b: {  	s0 =	sand.u32 $0x1, s1  }
0x8c: {  	s14 =	sshll.u32 s0, $0xA;
	s2 =	sadd.s32 s3, s2  }
0x8d: {  	s2 =	sadd.s32 s2, s14  }
0x8e: {  	[smem:$0x3FBD] =	sst s2  }
0x8f: {  	_ = 	snop  }
0x90: {  	s2 =	sld [smem:$0x3FD0];
	_ =	sdelay $0x2  }
0x91: {  	s4 =	simm.s32 $0xB;
	s5 =	simm.s32 $0x10;
	s15 =	sld [smem:$0x3FC1]  }
0x92: {  	[smem:s5], [sflag:s4] =	dma.local [hbm:s2], $0x1  }
0x93: {  	_ =	swait.eq [sflag:s4], $0x1  }
0x94: {  	[sflag:s4] =	ssyncset.done $0x0  }
0x95: {  	[sflag:s4] =	ssyncadd.s32 $0xFFFFFFFF  }
0x96: {  	s16 =	sld [smem:$0x11];
	(tm) =	ssettm $0x1  }
0x97: {  	s17 =	sld [smem:$0x3FFB];
	_ =	sdelay $0x3  }
0x98: {  	_ =	strace s17  }
0x99: {  	s4 =	sld [smem:$0x3FFC];
	_ =	sdelay $0x3  }
0x9a: {  	_ =	strace s4  }
0x9b: {  	s4 =	sld [smem:$0x3FFD];
	_ =	sdelay $0x3  }
0x9c: {  	_ =	strace s4  }
0x9d: {  	_ =	strace $0x8FFFFFFF  }
0x9e: {  	s18 =	sld [smem:$0x3FDB];
	_ =	sdelay $0x1  }
0x9f: {  	s19 =	simm.s32 $_scs_section_size  }
0xa0: {  	s6 =	simm.s32 $_size__tile_overlayer_lowered;
	s7 =	simm.s32 $_tile_overlayer_lowered  }
0xa1: {  	s22 =	simm.s32 $0x1BFF;
	s21 =	sshll.u32 s7, $0x1;
	s4 =	sadd.s32 s19, s18  }
0xa2: {  	s8 =	simm.s32 $0x0;
	s20 =	sshll.u32 s6, $0x1;
	s6 =	sadd.s32 s21, s4  }
0xa3: {  	[timem:s8], [sflag:s22] =	dma.local [hbm:s6], s20  }
0xa4: {  	_ =	swait.ge [sflag:s22], s20  }
0xa5: {  	s5 =	ssub.s32 $0x0, s20;
	[sflag:s22] =	ssyncset.done $0x0  }
0xa6: {  	[sflag:s22] =	ssyncadd.s32 s5;
	_ =	sdelay $0x1  }
0xa7: {  	s23 =	simm.s32 $0x1B8B  }
0xa8: {  	_ =	swait.ge [sflag:s23], $0x1  }
0xa9: {  	[sflag:s23] =	ssyncset.done $0x0  }
0xaa: {  	s25 =	simm.s32 $0x1B8E;
	s24 =	sld [smem:$0x3FFE];
	[sflag:s23] =	ssyncadd.s32 $0xFFFFFFFF  }
0xab: {  	s26 =	simm.s32 $execute0_lowered;
	[smem:$0x3FD2] =	sst s25  }
0xac: {  	s6 =	sshll.u32 s26, $0x1;
	_ =	strace $0x80000046;
	[dreg:$0x1] =	wrdreg $0xFFFFFFFF  }
0xad: {  	s28 =	simm.s32 $_size_execute0_lowered;
	s4 =	sadd.s32 s4, s6;
	[dreg:$0x0] =	wrdreg $0x0  }
0xae: {  	s6 =	sshll.u32 s28, $0x1;
	[dreg:$0x2] =	wrdreg s4  }
0xaf: {  	[dreg:$0x3] =	wrdreg s6  }
0xb0: {  	[dreg:$0x4] =	wrdreg $0xC0  }
0xb1: {  	_ =	task [dreg:s8], $0x5FFFF  }
0xb2: {  	[dreg:$0x1] =	wrdreg $0xFFFFFFFF  }
0xb3: {  	[dreg:$0x0] =	wrdreg $0x60  }
0xb4: {  	[dreg:$0x2] =	wrdreg s15  }
0xb5: {  	[dreg:$0x3] =	wrdreg s24  }
0xb6: {  	[dreg:$0x4] =	wrdreg s16  }
0xb7: {  	[dreg:$0x5] =	wrdreg $0x9  }
0xb8: {  	_ =	task.clear_ibuf [dreg:s8], $0x6FFFF;
	_ =	strace $0x90000046  }
0xb9: {  	s29 =	simm.s32 $0x9;
	_ =	strace $0x80000048  }
0xba: {  	_ =	swait.ge [sflag:s29], $0x1  }
0xbb: {  	[sflag:s29] =	ssyncadd.s32 $0xFFFFFFFF  }
0xbc: {  	_ =	strace $0x90000048  }
0xbd: {  	_ =	sfence  }
0xbe: {  	s30 =	sld [smem:$0x0];
	_ =	sdelay $0x2  }
0xbf: {  	s31 =	sshll.u32 s1, $0xD;
	s1 =	sshrl.u32 s1, $0x2  }
0xc0: {  	s3 =	sand.u32 $0x4000, s31;
	s1 =	sadd.s32 s1, s30  }
0xc1: {  	s0 =	sor.u32 s3, s0;
	s1 =	sshll.u32 s1, $0x11  }
0xc2: {  	s0 =	sor.u32 s1, s0  }
0xc3: {  	s0 =	sadd.s32 $0x8F2B, s0  }
0xc4: {  	[sflag:s0] =	ssyncadd.remote.s32 $0x1  }
0xc5: {  	_ =	sfence.sel $0xFFFF  }
0xc6: {  	[dreg:$0x0] =	wrdreg $0xFFFFFFFF;
	(pc) =	sbr.abs _section_cstart, $3  }
0xc7: {  	[dreg:$0x1] =	wrdreg $0xFFFFFFFF  }
0xc8: {  	_ =	task.clear_ibuf [dreg:s8], $0x2FFFF;
	_ =	strace $0x9FFFFFFF  }
0xc9: {  	(tm) =	ssettm $0x7FFFFFFF  }
tec
execute0_lowered:
.L_overlay_start_1:
0x0: {  	(tag) =	ssettag $0x1  }
0x1: {  	s1 =	srdreg.scid;
	s0 =	stileid.u32  }
0x2: {  	s30 =	sand.u32 $0x1, s1;
	s25 =	sshll.u32 s0, $0x1  }
0x3: {  	s2 =	rddreg [dreg:$0x0];
	s21 =	sor.u32 s30, s25  }
0x4: {  	s4 =	rddreg [dreg:$0x1];
	s5 =	sshll.u32 s21, $0x7  }
0x5: {  	s20 =	rddreg [dreg:$0x2];
	s3 =	simm.s32 $0x0;
	s7 =	sadd.s32 s5, s4  }
0x6: {  	[smem:$0x7FF] =	sst s3;
	s4 =	sadd.s32 $0x2400, s7  }
0x7: {  	_ =	strace $0x80000047;
	[dreg:$0x4] =	wrdreg s4  }
0x8: {  	s4 =	simm.s32 $0x3;
	s26 =	rddreg [dreg:$0x4]  }
0x9: {  	[tilespmem:s3], [sflag:$0x3] =	stream.linear.gather [hbm4b:s26+s3], $0x280, $0x38;
	[tilespmem:$0x8C00] =	vst v63  }
0xa: {  	_ =	swait.ge [sflag:s4], $0x280  }
0xb: {  	[sflag:s4] =	ssyncset.done $0x0  }
0xc: {  	s6 =	simm.s32 $0x400;
	s5 =	sadd.s32 $0x3400, s7;
	[sflag:s4] =	ssyncadd.s32 $0xFFFFFD80  }
0xd: {  	[tilespmem:s6], [sflag:$0x3] =	stream.linear.gather [hbm4b:s5+s3], $0x280, $0x38;
	[tilespmem:$0x8C00] =	vst v63  }
0xe: {  	_ =	swait.ge [sflag:s4], $0x280  }
0xf: {  	[sflag:s4] =	ssyncset.done $0x0  }
0x10: {  	s8 =	simm.s32 $0x800;
	s7 =	sadd.s32 $0x1400, s7;
	[sflag:s4] =	ssyncadd.s32 $0xFFFFFD80  }
0x11: {  	[tilespmem:s8], [sflag:$0x3] =	stream.linear.gather [hbm4b:s7+s3], $0x280, $0x38;
	[tilespmem:$0x8C00] =	vst v63  }
0x12: {  	_ =	swait.ge [sflag:s4], $0x280  }
0x13: {  	s9 =	simm.s32 $0x80;
	[sflag:s4] =	ssyncset.done $0x0  }
0x14: {  	s10 =	simm.s32 $0xC00;
	s11 =	simm.s32 $0x1;
	[sflag:s4] =	ssyncadd.s32 $0xFFFFFD80  }
0x15: {  	[tilespmem:s10], [sflag:$0x1] =	stream.indirect.gather [hbm4b:s2+s9], $0x80, s3, s9, $0xb8;
	[tilespmem:$0x8C00] =	vst v63  }
0x16: {  	_ =	swait.ge [sflag:s11], $0x4000  }
0x17: {  	[sflag:s11] =	ssyncset.done $0x0  }
0x18: {  	[sflag:s11] =	ssyncadd.s32 $0xFFFFC000  }
0x19: {  	[tilespmem:s10], [sflag:$0x1] =	stream.indirect.gather.add.f32 [hbm:s2], $0x80, s6, s9, $0xb8;
	[tilespmem:$0x8C00] =	vst v63  }
0x1a: {  	_ = 	snop  }
0x1b: {  	[tilespmem:s10], [sflag:$0x1] =	stream.indirect.gather.add.f32 [hbm:s2], $0x80, s8, s9, $0xb8;
	[tilespmem:$0x8C00] =	vst v63  }
0x1c: {  	s12 =	simm.s32 $0x4C00;
	s13 =	simm.s32 $0x2  }
0x1d: {  	[tilespmem:s12], [sflag:$0x2] =	stream.indirect.gather [hbm4b:s2+s9], $0x80, s9, s9, $0xb8;
	[tilespmem:$0x8C00] =	vst v63  }
0x1e: {  	_ =	swait.ge [sflag:s13], $0x4000  }
0x1f: {  	[sflag:s13] =	ssyncset.done $0x0  }
0x20: {  	s14 =	simm.s32 $0x480;
	[sflag:s13] =	ssyncadd.s32 $0xFFFFC000  }
0x21: {  	[tilespmem:s12], [sflag:$0x2] =	stream.indirect.gather.add.f32 [hbm:s2], $0x80, s14, s9, $0xb8;
	[tilespmem:$0x8C00] =	vst v63  }
0x22: {  	s15 =	simm.s32 $0x880  }
0x23: {  	[tilespmem:s12], [sflag:$0x2] =	stream.indirect.gather.add.f32 [hbm:s2], $0x80, s15, s9, $0xb8;
	[tilespmem:$0x8C00] =	vst v63  }
0x24: {  	_ =	swait.ge [sflag:s11], $0x4000  }
0x25: {  	[sflag:s11] =	ssyncset.done $0x0  }
0x26: {  	[sflag:s11] =	ssyncadd.s32 $0xFFFFC000  }
0x27: {  	s16 =	smul.u32 $0x2800, s21;
	_ =	swait.ge [sflag:s11], $0x4000  }
0x28: {  	[sflag:s11] =	ssyncset.done $0x0  }
0x29: {  	s16 =	sadd.s32 s20, s16;
	[sflag:s11] =	ssyncadd.s32 $0xFFFFC000  }
0x2a: {  	[hbm4b:s16+s3] =	stream.linear.scatter [tilespmem:s10], [sflag:$0x3], $0x4000, $0x38;
	[tilespmem:$0x8C00] =	vst v63  }
0x2b: {  	_ =	swait.ge [sflag:s4], $0x4000  }
0x2c: {  	[sflag:s4] =	ssyncset.done $0x0  }
0x2d: {  	s17 =	simm.s32 $0x100;
	[sflag:s4] =	ssyncadd.s32 $0xFFFFC000  }
0x2e: {  	[tilespmem:s10], [sflag:$0x1] =	stream.indirect.gather [hbm4b:s2+s9], $0x80, s17, s9, $0xb8;
	[tilespmem:$0x8C00] =	vst v63  }
0x2f: {  	_ =	swait.ge [sflag:s11], $0x4000  }
0x30: {  	[sflag:s11] =	ssyncset.done $0x0  }
0x31: {  	s18 =	simm.s32 $0x500;
	[sflag:s11] =	ssyncadd.s32 $0xFFFFC000  }
0x32: {  	[tilespmem:s10], [sflag:$0x1] =	stream.indirect.gather.add.f32 [hbm:s2], $0x80, s18, s9, $0xb8;
	[tilespmem:$0x8C00] =	vst v63  }
0x33: {  	s19 =	simm.s32 $0x900  }
0x34: {  	[tilespmem:s10], [sflag:$0x1] =	stream.indirect.gather.add.f32 [hbm:s2], $0x80, s19, s9, $0xb8;
	[tilespmem:$0x8C00] =	vst v63  }
0x35: {  	_ =	swait.ge [sflag:s13], $0x4000  }
0x36: {  	s21 =	smul.u32 $0x14000, s21;
	[sflag:s13] =	ssyncset.done $0x0  }
0x37: {  	[sflag:s13] =	ssyncadd.s32 $0xFFFFC000  }
0x38: {  	s21 =	sshrl.u32 s21, $0x3;
	_ =	swait.ge [sflag:s13], $0x4000  }
0x39: {  	s31 =	sadd.s32 s20, s21;
	[sflag:s13] =	ssyncset.done $0x0  }
0x3a: {  	s20 =	sadd.s32 $0x800, s31;
	[sflag:s13] =	ssyncadd.s32 $0xFFFFC000  }
0x3b: {  	[hbm4b:s20+s3] =	stream.linear.scatter [tilespmem:s12], [sflag:$0x3], $0x4000, $0x38;
	[tilespmem:$0x8C00] =	vst v63  }
0x3c: {  	_ =	swait.ge [sflag:s4], $0x4000  }
0x3d: {  	[sflag:s4] =	ssyncset.done $0x0  }
0x3e: {  	s21 =	simm.s32 $0x180;
	[sflag:s4] =	ssyncadd.s32 $0xFFFFC000  }
0x3f: {  	[tilespmem:s12], [sflag:$0x2] =	stream.indirect.gather [hbm4b:s2+s9], $0x80, s21, s9, $0xb8;
	[tilespmem:$0x8C00] =	vst v63  }
0x40: {  	_ =	swait.ge [sflag:s13], $0x4000  }
0x41: {  	[sflag:s13] =	ssyncset.done $0x0  }
0x42: {  	s22 =	simm.s32 $0x580;
	[sflag:s13] =	ssyncadd.s32 $0xFFFFC000  }
0x43: {  	[tilespmem:s12], [sflag:$0x2] =	stream.indirect.gather.add.f32 [hbm:s2], $0x80, s22, s9, $0xb8;
	[tilespmem:$0x8C00] =	vst v63  }
0x44: {  	s23 =	simm.s32 $0x980  }
0x45: {  	[tilespmem:s12], [sflag:$0x2] =	stream.indirect.gather.add.f32 [hbm:s2], $0x80, s23, s9, $0xb8;
	[tilespmem:$0x8C00] =	vst v63  }
0x46: {  	_ =	swait.ge [sflag:s11], $0x4000  }
0x47: {  	[sflag:s11] =	ssyncset.done $0x0  }
0x48: {  	[sflag:s11] =	ssyncadd.s32 $0xFFFFC000  }
0x49: {  	_ =	swait.ge [sflag:s11], $0x4000  }
0x4a: {  	[sflag:s11] =	ssyncset.done $0x0  }
0x4b: {  	s24 =	sadd.s32 $0x1000, s31;
	[sflag:s11] =	ssyncadd.s32 $0xFFFFC000  }
0x4c: {  	[hbm4b:s24+s3] =	stream.linear.scatter [tilespmem:s10], [sflag:$0x3], $0x4000, $0x38;
	[tilespmem:$0x8C00] =	vst v63  }
0x4d: {  	_ =	swait.ge [sflag:s4], $0x4000  }
0x4e: {  	[sflag:s4] =	ssyncset.done $0x0  }
0x4f: {  	s25 =	simm.s32 $0x200;
	[sflag:s4] =	ssyncadd.s32 $0xFFFFC000  }
0x50: {  	[tilespmem:s10], [sflag:$0x1] =	stream.indirect.gather [hbm4b:s2+s9], $0x80, s25, s9, $0xb8;
	[tilespmem:$0x8C00] =	vst v63  }
0x51: {  	_ =	swait.ge [sflag:s11], $0x4000  }
0x52: {  	[sflag:s11] =	ssyncset.done $0x0  }
0x53: {  	s26 =	simm.s32 $0x600;
	[sflag:s11] =	ssyncadd.s32 $0xFFFFC000  }
0x54: {  	[tilespmem:s10], [sflag:$0x1] =	stream.indirect.gather.add.f32 [hbm:s2], $0x80, s26, s9, $0xb8;
	[tilespmem:$0x8C00] =	vst v63  }
0x55: {  	s28 =	simm.s32 $0xA00  }
0x56: {  	[tilespmem:s10], [sflag:$0x1] =	stream.indirect.gather.add.f32 [hbm:s2], $0x80, s28, s9, $0xb8;
	[tilespmem:$0x8C00] =	vst v63  }
0x57: {  	_ =	swait.ge [sflag:s13], $0x4000  }
0x58: {  	[sflag:s13] =	ssyncset.done $0x0  }
0x59: {  	[sflag:s13] =	ssyncadd.s32 $0xFFFFC000  }
0x5a: {  	_ =	swait.ge [sflag:s13], $0x4000  }
0x5b: {  	[sflag:s13] =	ssyncset.done $0x0  }
0x5c: {  	s29 =	sadd.s32 $0x1800, s31;
	[sflag:s13] =	ssyncadd.s32 $0xFFFFC000  }
0x5d: {  	[hbm4b:s29+s3] =	stream.linear.scatter [tilespmem:s12], [sflag:$0x3], $0x4000, $0x38;
	[tilespmem:$0x8C00] =	vst v63  }
0x5e: {  	_ =	swait.ge [sflag:s4], $0x4000  }
0x5f: {  	s30 =	ssub.s32 $0x2, s30;
	[sflag:s4] =	ssyncset.done $0x0  }
0x60: {  	s1 =	sshrl.u32 s30, $0x1;
	[sflag:s4] =	ssyncadd.s32 $0xFFFFC000  }
0x61: {  	s1 =	ssub.s32 s30, s1;
	_ =	swait.ge [sflag:s11], $0x4000  }
0x62: {  	s1 =	smax.u32 s1, $0x1;
	[sflag:s11] =	ssyncset.done $0x0  }
0x63: {  	p0 =	sne.s32 s1, $0x1;
	[sflag:s11] =	ssyncadd.s32 $0xFFFFC000  }
.Ltmp0:
0x64: {  	_ =	swait.ge [sflag:s11], $0x4000;
	(pc) =	sbr.rel @!p0 .LBB2_2-.Ltmp0, $4  }
0x65: {  	[sflag:s11] =	ssyncset.done $0x0  }
0x66: {  	s30 =	sadd.s32 $0x2000, s31;
	[sflag:s11] =	ssyncadd.s32 $0xFFFFC000  }
0x67: {  	[hbm4b:s30+s3] =	stream.linear.scatter [tilespmem:s10], [sflag:$0x3], $0x4000, $0x38;
	[tilespmem:$0x8C00] =	vst v63  }
0x68: {  	s31 =	sadd.s32 $0xFFFFFFFF, s1;
	_ =	swait.ge [sflag:s4], $0x4000  }
.LBB2_1:
0x69: {  	[sflag:s4] =	ssyncset.done $0x0  }
0x6a: {  	s1 =	rddreg [dreg:$0x4];
	[sflag:s4] =	ssyncadd.s32 $0xFFFFC000  }
0x6b: {  	[tilespmem:s3], [sflag:$0x3] =	stream.linear.gather [hbm4b:s1+s3], $0x280, $0x38;
	[tilespmem:$0x8C00] =	vst v63  }
0x6c: {  	_ =	swait.ge [sflag:s4], $0x280  }
0x6d: {  	[sflag:s4] =	ssyncset.done $0x0  }
0x6e: {  	[sflag:s4] =	ssyncadd.s32 $0xFFFFFD80  }
0x6f: {  	[tilespmem:s6], [sflag:$0x3] =	stream.linear.gather [hbm4b:s5+s3], $0x280, $0x38;
	[tilespmem:$0x8C00] =	vst v63  }
0x70: {  	_ =	swait.ge [sflag:s4], $0x280  }
0x71: {  	[sflag:s4] =	ssyncset.done $0x0  }
0x72: {  	[sflag:s4] =	ssyncadd.s32 $0xFFFFFD80  }
0x73: {  	[tilespmem:s8], [sflag:$0x3] =	stream.linear.gather [hbm4b:s7+s3], $0x280, $0x38;
	[tilespmem:$0x8C00] =	vst v63  }
0x74: {  	_ =	swait.ge [sflag:s4], $0x280  }
0x75: {  	[sflag:s4] =	ssyncset.done $0x0  }
0x76: {  	[sflag:s4] =	ssyncadd.s32 $0xFFFFFD80  }
0x77: {  	[tilespmem:s10], [sflag:$0x1] =	stream.indirect.gather [hbm4b:s2+s9], $0x80, s3, s9, $0xb8;
	[tilespmem:$0x8C00] =	vst v63  }
0x78: {  	_ =	swait.ge [sflag:s11], $0x4000  }
0x79: {  	[sflag:s11] =	ssyncset.done $0x0  }
0x7a: {  	[sflag:s11] =	ssyncadd.s32 $0xFFFFC000  }
0x7b: {  	[tilespmem:s10], [sflag:$0x1] =	stream.indirect.gather.add.f32 [hbm:s2], $0x80, s6, s9, $0xb8;
	[tilespmem:$0x8C00] =	vst v63  }
0x7c: {  	_ = 	snop  }
0x7d: {  	[tilespmem:s10], [sflag:$0x1] =	stream.indirect.gather.add.f32 [hbm:s2], $0x80, s8, s9, $0xb8;
	[tilespmem:$0x8C00] =	vst v63  }
0x7e: {  	_ = 	snop  }
0x7f: {  	[tilespmem:s12], [sflag:$0x2] =	stream.indirect.gather [hbm4b:s2+s9], $0x80, s9, s9, $0xb8;
	[tilespmem:$0x8C00] =	vst v63  }
0x80: {  	_ =	swait.ge [sflag:s13], $0x4000  }
0x81: {  	[sflag:s13] =	ssyncset.done $0x0  }
0x82: {  	[sflag:s13] =	ssyncadd.s32 $0xFFFFC000  }
0x83: {  	[tilespmem:s12], [sflag:$0x2] =	stream.indirect.gather.add.f32 [hbm:s2], $0x80, s14, s9, $0xb8;
	[tilespmem:$0x8C00] =	vst v63  }
0x84: {  	_ = 	snop  }
0x85: {  	[tilespmem:s12], [sflag:$0x2] =	stream.indirect.gather.add.f32 [hbm:s2], $0x80, s15, s9, $0xb8;
	[tilespmem:$0x8C00] =	vst v63  }
0x86: {  	_ =	swait.ge [sflag:s11], $0x4000  }
0x87: {  	[sflag:s11] =	ssyncset.done $0x0  }
0x88: {  	[sflag:s11] =	ssyncadd.s32 $0xFFFFC000  }
0x89: {  	_ =	swait.ge [sflag:s11], $0x4000  }
0x8a: {  	[sflag:s11] =	ssyncset.done $0x0  }
0x8b: {  	[sflag:s11] =	ssyncadd.s32 $0xFFFFC000  }
0x8c: {  	[hbm4b:s16+s3] =	stream.linear.scatter [tilespmem:s10], [sflag:$0x3], $0x4000, $0x38;
	[tilespmem:$0x8C00] =	vst v63  }
0x8d: {  	_ =	swait.ge [sflag:s4], $0x4000  }
0x8e: {  	[sflag:s4] =	ssyncset.done $0x0  }
0x8f: {  	[sflag:s4] =	ssyncadd.s32 $0xFFFFC000  }
0x90: {  	[tilespmem:s10], [sflag:$0x1] =	stream.indirect.gather [hbm4b:s2+s9], $0x80, s17, s9, $0xb8;
	[tilespmem:$0x8C00] =	vst v63  }
0x91: {  	_ =	swait.ge [sflag:s11], $0x4000  }
0x92: {  	[sflag:s11] =	ssyncset.done $0x0  }
0x93: {  	[sflag:s11] =	ssyncadd.s32 $0xFFFFC000  }
0x94: {  	[tilespmem:s10], [sflag:$0x1] =	stream.indirect.gather.add.f32 [hbm:s2], $0x80, s18, s9, $0xb8;
	[tilespmem:$0x8C00] =	vst v63  }
0x95: {  	_ = 	snop  }
0x96: {  	[tilespmem:s10], [sflag:$0x1] =	stream.indirect.gather.add.f32 [hbm:s2], $0x80, s19, s9, $0xb8;
	[tilespmem:$0x8C00] =	vst v63  }
0x97: {  	_ =	swait.ge [sflag:s13], $0x4000  }
0x98: {  	[sflag:s13] =	ssyncset.done $0x0  }
0x99: {  	[sflag:s13] =	ssyncadd.s32 $0xFFFFC000  }
0x9a: {  	_ =	swait.ge [sflag:s13], $0x4000  }
0x9b: {  	[sflag:s13] =	ssyncset.done $0x0  }
0x9c: {  	[sflag:s13] =	ssyncadd.s32 $0xFFFFC000  }
0x9d: {  	[hbm4b:s20+s3] =	stream.linear.scatter [tilespmem:s12], [sflag:$0x3], $0x4000, $0x38;
	[tilespmem:$0x8C00] =	vst v63  }
0x9e: {  	_ =	swait.ge [sflag:s4], $0x4000  }
0x9f: {  	[sflag:s4] =	ssyncset.done $0x0  }
0xa0: {  	[sflag:s4] =	ssyncadd.s32 $0xFFFFC000  }
0xa1: {  	[tilespmem:s12], [sflag:$0x2] =	stream.indirect.gather [hbm4b:s2+s9], $0x80, s21, s9, $0xb8;
	[tilespmem:$0x8C00] =	vst v63  }
0xa2: {  	_ =	swait.ge [sflag:s13], $0x4000  }
0xa3: {  	[sflag:s13] =	ssyncset.done $0x0  }
0xa4: {  	[sflag:s13] =	ssyncadd.s32 $0xFFFFC000  }
0xa5: {  	[tilespmem:s12], [sflag:$0x2] =	stream.indirect.gather.add.f32 [hbm:s2], $0x80, s22, s9, $0xb8;
	[tilespmem:$0x8C00] =	vst v63  }
0xa6: {  	_ = 	snop  }
0xa7: {  	[tilespmem:s12], [sflag:$0x2] =	stream.indirect.gather.add.f32 [hbm:s2], $0x80, s23, s9, $0xb8;
	[tilespmem:$0x8C00] =	vst v63  }
0xa8: {  	_ =	swait.ge [sflag:s11], $0x4000  }
0xa9: {  	[sflag:s11] =	ssyncset.done $0x0  }
0xaa: {  	[sflag:s11] =	ssyncadd.s32 $0xFFFFC000  }
0xab: {  	_ =	swait.ge [sflag:s11], $0x4000  }
0xac: {  	[sflag:s11] =	ssyncset.done $0x0  }
0xad: {  	[sflag:s11] =	ssyncadd.s32 $0xFFFFC000  }
0xae: {  	[hbm4b:s24+s3] =	stream.linear.scatter [tilespmem:s10], [sflag:$0x3], $0x4000, $0x38;
	[tilespmem:$0x8C00] =	vst v63  }
0xaf: {  	_ =	swait.ge [sflag:s4], $0x4000  }
0xb0: {  	[sflag:s4] =	ssyncset.done $0x0  }
0xb1: {  	[sflag:s4] =	ssyncadd.s32 $0xFFFFC000  }
0xb2: {  	[tilespmem:s10], [sflag:$0x1] =	stream.indirect.gather [hbm4b:s2+s9], $0x80, s25, s9, $0xb8;
	[tilespmem:$0x8C00] =	vst v63  }
0xb3: {  	_ =	swait.ge [sflag:s11], $0x4000  }
0xb4: {  	[sflag:s11] =	ssyncset.done $0x0  }
0xb5: {  	[sflag:s11] =	ssyncadd.s32 $0xFFFFC000  }
0xb6: {  	[tilespmem:s10], [sflag:$0x1] =	stream.indirect.gather.add.f32 [hbm:s2], $0x80, s26, s9, $0xb8;
	[tilespmem:$0x8C00] =	vst v63  }
0xb7: {  	_ = 	snop  }
0xb8: {  	[tilespmem:s10], [sflag:$0x1] =	stream.indirect.gather.add.f32 [hbm:s2], $0x80, s28, s9, $0xb8;
	[tilespmem:$0x8C00] =	vst v63  }
0xb9: {  	_ =	swait.ge [sflag:s13], $0x4000  }
0xba: {  	[sflag:s13] =	ssyncset.done $0x0  }
0xbb: {  	[sflag:s13] =	ssyncadd.s32 $0xFFFFC000  }
0xbc: {  	_ =	swait.ge [sflag:s13], $0x4000  }
0xbd: {  	[sflag:s13] =	ssyncset.done $0x0  }
0xbe: {  	[sflag:s13] =	ssyncadd.s32 $0xFFFFC000  }
0xbf: {  	[hbm4b:s29+s3] =	stream.linear.scatter [tilespmem:s12], [sflag:$0x3], $0x4000, $0x38;
	[tilespmem:$0x8C00] =	vst v63  }
0xc0: {  	_ =	swait.ge [sflag:s4], $0x4000  }
0xc1: {  	[sflag:s4] =	ssyncset.done $0x0  }
0xc2: {  	[sflag:s4] =	ssyncadd.s32 $0xFFFFC000  }
0xc3: {  	_ =	swait.ge [sflag:s11], $0x4000  }
0xc4: {  	[sflag:s11] =	ssyncset.done $0x0  }
0xc5: {  	p0 =	sne.s32 s31, $0x1;
	[sflag:s11] =	ssyncadd.s32 $0xFFFFC000  }
.Ltmp1:
0xc6: {  	_ =	swait.ge [sflag:s11], $0x4000;
	(pc) =	sbr.rel @p0 .LBB2_1-.Ltmp1, $4  }
0xc7: {  	[sflag:s11] =	ssyncset.done $0x0  }
0xc8: {  	[sflag:s11] =	ssyncadd.s32 $0xFFFFC000  }
0xc9: {  	[hbm4b:s30+s3] =	stream.linear.scatter [tilespmem:s10], [sflag:$0x3], $0x4000, $0x38;
	[tilespmem:$0x8C00] =	vst v63  }
0xca: {  	s31 =	sadd.s32 $0xFFFFFFFF, s31;
	_ =	swait.ge [sflag:s4], $0x4000  }
.LBB2_2:
0xcb: {  	[sflag:s4] =	ssyncset.done $0x0  }
0xcc: {  	[sflag:s4] =	ssyncadd.s32 $0xFFFFC000  }
0xcd: {  	_ =	sfence.sel $0x180000  }
0xce: {  	[bflag:$0x0] =	sbarrier.arrive $0xFFFF  }
0xcf: {  	_ =	strace $0x90000047  }
0xd0: {  	[bflag:$0x2] =	sbarrier.arrive $0xFFFF  }
0xd1: {  	p0 =	sne.s32 s0, $0x0;
	s0 =	rddreg [dreg:$0x3]  }
0xd2: {  	s0 =	sadd.s32 @!p0 $0x100000, s0  }
0xd3: {  	[sflag:s0] =	ssyncadd.tile.s32 @!p0 $0x1;
	_ =	shalt  }
.Lfunc_end2:
_tile_overlayer_lowered:
.L_overlay_start_2:
0xd4: {  	(tag) =	ssettag $0x2  }
0xd5: {  	s0 =	rddreg [dreg:$0x0];
	s2 =	stileid.u32  }
0xd6: {  	s1 =	rddreg [dreg:$0x1];
	p0 =	sne.s32 s2, $0x0  }
0xd7: {  	s3 =	rddreg [dreg:$0x2];
	[bflag:$0x3] =	sbarrier.arrive $0xFFFF;
	s2 =	simm.s32 @!p0 $0x1C03  }
0xd8: {  	[timem:s3], [sflag:s2] =	dma.local @!p0 [hbm:s0], s1  }
0xd9: {  	s0 =	simm.s32 @!p0 $0x3  }
0xda: {  	_ =	swait.ge @!p0 [sflag:s0], s1  }
0xdb: {  	s1 =	ssub.s32 @!p0 $0x0, s1;
	[sflag:s0] =	ssyncset.done @!p0 $0x0  }
0xdc: {  	[sflag:s0] =	ssyncadd.s32 @!p0 s1  }
0xdd: {  	[bflag:$0x3] =	sbarrier.arrive $0xFFFF  }
0xde: {  	_ =	shalt  }

// kernel: kernel.8.cloned.1.call-start
scs
__scs_entry_jumppad:
0x0: {  	(pc) =	sbr.rel $0x88, $3  }
0x1: {  	(tag) =	ssettag $0x0;
	lr =	simm.s32 $0x1  }
0x2: {  	[smem:$0x3F96] =	sst lr;
	_ =	strace $0xD0000000  }
0x3: {  	_ = 	snop  }
0x4: {  	_ = 	snop  }
0x5: {  	_ = 	snop  }
0x6: {  	_ = 	snop  }
0x7: {  	_ = 	snop  }
__scs_overlays_trampoline_lowered:
0x8: {  	[smem:$0x3FA5] =	sst s0  }
0x9: {  	[smem:$0x3FA6] =	sst s1  }
0xa: {  	[smem:$0x3FA7] =	sst s2  }
0xb: {  	[smem:$0x3FA8] =	sst s3  }
0xc: {  	[smem:$0x3FA9] =	sst s4  }
0xd: {  	[smem:$0x3FAA] =	sst s5  }
0xe: {  	[smem:$0x3FAB] =	sst s6  }
0xf: {  	[smem:$0x3FAC] =	sst s7  }
0x10: {  	[smem:$0x3FAD] =	sst s8  }
0x11: {  	[smem:$0x3FAE] =	sst s9;
	s0 =	simm.s32 @!p0 $0x0  }
0x12: {  	s1 =	sld [smem:$0x3F94];
	s0 =	simm.s32 @p0 $0x1  }
0x13: {  	[smem:$0x3FAF] =	sst s0;
	s0 =	simm.s32 @!p1 $0x0  }
0x14: {  	s2 =	sld [smem:$0x3F93];
	s0 =	simm.s32 @p1 $0x1  }
0x15: {  	[smem:$0x3FB0] =	sst s0;
	s0 =	simm.s32 @!p2 $0x0  }
0x16: {  	s3 =	sld [smem:$0x3FDB];
	s0 =	simm.s32 @p2 $0x1  }
0x17: {  	s4 =	simm.s32 $0x1BF5;
	[smem:$0x3FB2] =	sst s0  }
0x18: {  	s0 =	sld [smem:$0x3F95];
	_ =	swait.ge [sflag:s4], $0x0  }
0x19: {  	s7 =	sld [smem:$0x3F96]  }
0x1a: {  	s8 =	sadd.s32 $0xFFFFE003, lr  }
0x1b: {  	s9 =	sadd.s32 $0xFFFFFEF7, lr;
	s5 =	simm.s32 $0xFFFFFFFF;
	p2 =	slt.u32 s8, $0xFFFFF086  }
0x1c: {  	p1 =	slt.u32 s9, $0xF7A;
	s5 =	simm.s32 @!p2 $0x0  }
0x1d: {  	s5 =	simm.s32 @p1 $0x1;
	p0 =	seq.s32 s7, s2  }
0x1e: {  	s7 =	smul.u32 @!p0 $0xF7A, s2;
	p2 =	seq.s32 @!p0 s5, $0x0  }
0x1f: {  	s9 =	smul.u32 $0xF7A, s1;
	s8 =	simm.s32 @!p0 $0x1BF5;
	p2 =	por !p2, p0  }
0x20: {  	[sflag:s8] =	ssyncset.s32 @!p0 $0xFFFFF086;
	s6 =	sadd.s32 @!p0 s3, s7;
	s7 =	simm.s32 @!p0 $0x108  }
0x21: {  	s3 =	sadd.s32 s3, s9;
	s6 =	sadd.s32 @!p0 $0x88, s6;
	s7 =	simm.s32 @p2 $0x1082  }
0x22: {  	[simem:s7], [sflag:s8] =	dma.local @!p0 [hbm:s6], $0xF7A  }
0x23: {  	s9 =	sor.u32 $0xD0000000, s2;
	s6 =	simm.s32 $0x108;
	_ =	swait.ge @!p0 [sflag:s8], $0x0  }
0x24: {  	s3 =	sadd.s32 $0x88, s3;
	s6 =	simm.s32 @!p1 $0x1082;
	[sflag:s4] =	ssyncset.s32 $0xFFFFF086  }
0x25: {  	[simem:s6], [sflag:s4] =	dma.local [hbm:s3], $0xF7A  }
0x26: {  	[smem:$0x3F96] =	sst s1;
	(tag) =	ssettag s2;
	_ =	strace s9  }
0x27: {  	s1 =	sld [smem:$0x3FA6]  }
0x28: {  	s2 =	sld [smem:$0x3FA7]  }
0x29: {  	s4 =	sld [smem:$0x3FA9]  }
0x2a: {  	p0 =	seq.s32 s5, $0x0;
	s5 =	sld [smem:$0x3FAA]  }
0x2b: {  	s6 =	sld [smem:$0x3FAB]  }
0x2c: {  	s7 =	sld [smem:$0x3FAC]  }
0x2d: {  	s3 =	simm.s32 $0x108;
	s8 =	sld [smem:$0x3FAD]  }
0x2e: {  	s3 =	simm.s32 @!p0 $0x1082;
	s9 =	sld [smem:$0x3FAE]  }
0x2f: {  	lr =	sadd.s32 s0, s3;
	s0 =	sld [smem:$0x3FA5]  }
0x30: {  	s3 =	sld [smem:$0x3FA8]  }
0x31: {  	[smem:$0x3FB1] =	sst s10  }
0x32: {  	s10 =	sld [smem:$0x3FAF];
	_ =	sdelay $0x3  }
0x33: {  	p0 =	seq.s32 s10, $0x1;
	s10 =	sld [smem:$0x3FB1];
	_ =	sdelay $0x3  }
0x34: {  	[smem:$0x3FB1] =	sst s10  }
0x35: {  	s10 =	sld [smem:$0x3FB0];
	_ =	sdelay $0x3  }
0x36: {  	p1 =	seq.s32 s10, $0x1;
	s10 =	sld [smem:$0x3FB1];
	_ =	sdelay $0x3  }
0x37: {  	[smem:$0x3FB1] =	sst s10  }
0x38: {  	s10 =	sld [smem:$0x3FB2]  }
0x39: {  	_ = 	snop;
	(pc) =	sbr.ind lr, $3  }
0x3a: {  	_ = 	snop  }
0x3b: {  	_ = 	snop  }
0x3c: {  	p2 =	seq.s32 s10, $0x1;
	s10 =	sld [smem:$0x3FB1]  }
0x3d: {  	_ =	shalt  }
0x3e: {  	_ =	shalt  }
0x3f: {  	_ =	shalt  }
0x40: {  	_ =	shalt  }
0x41: {  	_ =	shalt  }
0x42: {  	_ =	shalt  }
0x43: {  	_ =	shalt  }
0x44: {  	_ =	shalt  }
0x45: {  	_ =	shalt  }
0x46: {  	_ =	shalt  }
0x47: {  	_ =	shalt  }
0x48: {  	_ =	shalt  }
0x49: {  	_ =	shalt  }
0x4a: {  	_ =	shalt  }
0x4b: {  	_ =	shalt  }
0x4c: {  	_ =	shalt  }
0x4d: {  	_ =	shalt  }
0x4e: {  	_ =	shalt  }
0x4f: {  	_ =	shalt  }
0x50: {  	_ =	shalt  }
0x51: {  	_ =	shalt  }
0x52: {  	_ =	shalt  }
0x53: {  	_ =	shalt  }
0x54: {  	_ =	shalt  }
0x55: {  	_ =	shalt  }
0x56: {  	_ =	shalt  }
0x57: {  	_ =	shalt  }
0x58: {  	_ =	shalt  }
0x59: {  	_ =	shalt  }
0x5a: {  	_ =	shalt  }
0x5b: {  	_ =	shalt  }
0x5c: {  	_ =	shalt  }
0x5d: {  	_ =	shalt  }
0x5e: {  	_ =	shalt  }
0x5f: {  	_ =	shalt  }
0x60: {  	_ =	shalt  }
0x61: {  	_ =	shalt  }
0x62: {  	_ =	shalt  }
0x63: {  	_ =	shalt  }
0x64: {  	_ =	shalt  }
0x65: {  	_ =	shalt  }
0x66: {  	_ =	shalt  }
0x67: {  	_ =	shalt  }
0x68: {  	_ =	shalt  }
0x69: {  	_ =	shalt  }
0x6a: {  	_ =	shalt  }
0x6b: {  	_ =	shalt  }
0x6c: {  	_ =	shalt  }
0x6d: {  	_ =	shalt  }
0x6e: {  	_ =	shalt  }
0x6f: {  	_ =	shalt  }
0x70: {  	_ =	shalt  }
0x71: {  	_ =	shalt  }
0x72: {  	_ =	shalt  }
0x73: {  	_ =	shalt  }
0x74: {  	_ =	shalt  }
0x75: {  	_ =	shalt  }
0x76: {  	_ =	shalt  }
0x77: {  	_ =	shalt  }
0x78: {  	_ =	shalt  }
0x79: {  	_ =	shalt  }
0x7a: {  	_ =	shalt  }
0x7b: {  	_ =	shalt  }
0x7c: {  	_ =	shalt  }
0x7d: {  	_ =	shalt  }
0x7e: {  	_ =	shalt  }
0x7f: {  	_ =	shalt  }
0x80: {  	_ =	shalt  }
0x81: {  	_ =	shalt  }
0x82: {  	_ =	shalt  }
0x83: {  	_ =	shalt  }
0x84: {  	_ =	shalt  }
0x85: {  	_ =	shalt  }
0x86: {  	_ =	shalt  }
0x87: {  	_ =	shalt  }
.Lfunc_end0:
.L_simem_size_0:
called_computation.1_lowered:
.L_overlay_start_0:
0x88: {  	s2 =	sld [smem:$0x3FD9]  }
0x89: {  	s3 =	sld [smem:$0x3FFE];
	_ =	sdelay $0x1  }
0x8a: {  	s1 =	srdreg.scid  }
0x8b: {  	s0 =	sand.u32 $0x1, s1  }
0x8c: {  	s15 =	sshll.u32 s0, $0xA;
	s2 =	sadd.s32 s3, s2  }
0x8d: {  	s2 =	sadd.s32 s2, s15  }
0x8e: {  	[smem:$0x3FBD] =	sst s2  }
0x8f: {  	_ = 	snop  }
0x90: {  	s2 =	sld [smem:$0x3FD0];
	_ =	sdelay $0x1  }
0x91: {  	s16 =	sld [smem:$0x3FC1]  }
0x92: {  	s5 =	simm.s32 $0xB;
	s6 =	simm.s32 $0x10;
	s4 =	sld [smem:$0x3FC0]  }
0x93: {  	[smem:s6], [sflag:s5] =	dma.local [hbm:s2], $0x1  }
0x94: {  	_ =	swait.eq [sflag:s5], $0x1  }
0x95: {  	[sflag:s5] =	ssyncset.done $0x0  }
0x96: {  	[sflag:s5] =	ssyncadd.s32 $0xFFFFFFFF  }
0x97: {  	s17 =	sld [smem:$0x10];
	(tm) =	ssettm $0x1  }
0x98: {  	s18 =	sld [smem:$0x3FFB];
	_ =	sdelay $0x3  }
0x99: {  	_ =	strace s18  }
0x9a: {  	s2 =	sld [smem:$0x3FFC];
	_ =	sdelay $0x3  }
0x9b: {  	_ =	strace s2  }
0x9c: {  	s2 =	sld [smem:$0x3FFD];
	_ =	sdelay $0x3  }
0x9d: {  	_ =	strace s2  }
0x9e: {  	_ =	strace $0x8FFFFFFF  }
0x9f: {  	s19 =	sld [smem:$0x3FDB];
	_ =	sdelay $0x1  }
0xa0: {  	s20 =	simm.s32 $_scs_section_size  }
0xa1: {  	s7 =	simm.s32 $_size__tile_overlayer_lowered;
	s8 =	simm.s32 $_tile_overlayer_lowered  }
0xa2: {  	s9 =	simm.s32 $0x1BFF;
	s21 =	sshll.u32 s8, $0x1;
	s6 =	sadd.s32 s20, s19  }
0xa3: {  	s22 =	simm.s32 $0x0;
	s7 =	sshll.u32 s7, $0x1;
	s8 =	sadd.s32 s21, s6  }
0xa4: {  	[timem:s22], [sflag:s9] =	dma.local [hbm:s8], s7  }
0xa5: {  	_ =	swait.ge [sflag:s9], s7  }
0xa6: {  	s7 =	ssub.s32 $0x0, s7;
	[sflag:s9] =	ssyncset.done $0x0  }
0xa7: {  	[sflag:s9] =	ssyncadd.s32 s7;
	_ =	sdelay $0x1  }
0xa8: {  	s23 =	simm.s32 $0x1B8B  }
0xa9: {  	_ =	swait.ge [sflag:s23], $0x1  }
0xaa: {  	[sflag:s23] =	ssyncset.done $0x0  }
0xab: {  	[sflag:s23] =	ssyncadd.s32 $0xFFFFFFFF  }
0xac: {  	s7 =	sld [smem:$0x0]  }
0xad: {  	s8 =	sand.u32 $0xFFFFFFFE, s1  }
0xae: {  	p0 =	sne.s32 s1, s8  }
0xaf: {  	s8 =	sshll.u32 @p0 s8, $0xE  }
0xb0: {  	s8 =	sadd.s32 @p0 $0x11B8D, s8;
	s9 =	sshll.u32 @p0 s7, $0x11  }
0xb1: {  	s8 =	sor.u32 @p0 s9, s8  }
0xb2: {  	[sflag:s8] =	ssyncadd.remote.s32 @p0 $0x1;
	_ =	sdelay $0x1  }
0xb3: {  	s8 =	simm.s32 @p0 $0x1B8D  }
0xb4: {  	_ =	swait.eq @p0 [sflag:s8], $0x1  }
0xb5: {  	[sflag:s8] =	ssyncadd.s32 @p0 $0xFFFFFFFF  }
0xb6: {  	s9 =	sshll.u32 @!p0 s1, $0xE  }
0xb7: {  	s9 =	sor.u32 @!p0 $0x4000, s9;
	s8 =	simm.s32 @!p0 $0x1B8D  }
0xb8: {  	s7 =	sshll.u32 @!p0 s7, $0x11;
	s9 =	sadd.s32 @!p0 $0x11B8D, s9;
	_ =	swait.eq @!p0 [sflag:s8], $0x1  }
0xb9: {  	s7 =	sor.u32 @!p0 s7, s9;
	[sflag:s8] =	ssyncadd.s32 @!p0 $0xFFFFFFFF  }
0xba: {  	s25 =	simm.s32 $0x1B8E;
	s24 =	sld [smem:$0x3FFE];
	[sflag:s7] =	ssyncadd.remote.s32 @!p0 $0x1  }
0xbb: {  	s26 =	simm.s32 $execute0_lowered;
	[smem:$0x3FD2] =	sst s25  }
0xbc: {  	s8 =	sshll.u32 s26, $0x1;
	_ =	strace $0x80000049;
	[dreg:$0x1] =	wrdreg $0xFFFFFFFF  }
0xbd: {  	s28 =	simm.s32 $_size_execute0_lowered;
	s6 =	sadd.s32 s6, s8;
	[dreg:$0x0] =	wrdreg $0x0  }
0xbe: {  	s8 =	sshll.u32 s28, $0x1;
	[dreg:$0x2] =	wrdreg s6  }
0xbf: {  	[dreg:$0x3] =	wrdreg s8  }
0xc0: {  	[dreg:$0x4] =	wrdreg $0xC0  }
0xc1: {  	_ =	task [dreg:s22], $0x5FFFF  }
0xc2: {  	[dreg:$0x1] =	wrdreg $0xFFFFFFFF  }
0xc3: {  	[dreg:$0x0] =	wrdreg $0x60  }
0xc4: {  	[dreg:$0x2] =	wrdreg s16  }
0xc5: {  	[dreg:$0x3] =	wrdreg s4  }
0xc6: {  	[dreg:$0x4] =	wrdreg s24  }
0xc7: {  	[dreg:$0x5] =	wrdreg s17  }
0xc8: {  	[dreg:$0x6] =	wrdreg $0x72000  }
0xc9: {  	[dreg:$0x7] =	wrdreg $0xA  }
0xca: {  	_ =	task.clear_ibuf [dreg:s22], $0x8FFFF;
	_ =	strace $0x90000049  }
0xcb: {  	s29 =	simm.s32 $0xA;
	_ =	strace $0x8000004B  }
0xcc: {  	_ =	swait.ge [sflag:s29], $0x1  }
0xcd: {  	[sflag:s29] =	ssyncadd.s32 $0xFFFFFFFF  }
0xce: {  	_ =	strace $0x9000004B  }
0xcf: {  	_ =	sfence  }
0xd0: {  	s30 =	sld [smem:$0x0];
	_ =	sdelay $0x2  }
0xd1: {  	s31 =	sshll.u32 s1, $0xD;
	s1 =	sshrl.u32 s1, $0x2  }
0xd2: {  	s4 =	sand.u32 $0x4000, s31;
	s1 =	sadd.s32 s1, s30  }
0xd3: {  	s0 =	sor.u32 s4, s0;
	s1 =	sshll.u32 s1, $0x11  }
0xd4: {  	s0 =	sor.u32 s1, s0  }
0xd5: {  	s0 =	sadd.s32 $0x8F2B, s0  }
0xd6: {  	[sflag:s0] =	ssyncadd.remote.s32 $0x1  }
0xd7: {  	_ =	sfence.sel $0xFFFF  }
0xd8: {  	[dreg:$0x0] =	wrdreg $0xFFFFFFFF;
	(pc) =	sbr.abs _section_cstart, $3  }
0xd9: {  	[dreg:$0x1] =	wrdreg $0xFFFFFFFF  }
0xda: {  	_ =	task.clear_ibuf [dreg:s22], $0x2FFFF;
	_ =	strace $0x9FFFFFFF  }
0xdb: {  	(tm) =	ssettm $0x7FFFFFFF  }
tec
execute0_lowered:
.L_overlay_start_1:
0x0: {  	(tag) =	ssettag $0x1  }
0x1: {  	s0 =	rddreg [dreg:$0x0]  }
0x2: {  	s1 =	rddreg [dreg:$0x2]  }
0x3: {  	s2 =	rddreg [dreg:$0x3]  }
0x4: {  	s3 =	srdreg.scid;
	s12 =	stileid.u32  }
0x5: {  	s4 =	rddreg [dreg:$0x4];
	s5 =	simm.s32 $0x0;
	s17 =	simm.s32 $0x80  }
0x6: {  	s18 =	simm.s32 $0x7848;
	s19 =	simm.s32 $0x1;
	s30 =	simm.s32 $0x7000  }
0x7: {  	s20 =	simm.s32 $0xB848;
	s31 =	simm.s32 $0x7080;
	s21 =	simm.s32 $0x2  }
0x8: {  	s22 =	simm.s32 $0x6;
	s23 =	simm.s32 $0x4;
	s24 =	simm.s32 $0x5  }
0x9: {  	s25 =	simm.s32 $0x0;
	s3 =	sand.u32 $0x1, s3;
	s6 =	sshll.u32 s12, $0x1  }
0xa: {  	[smem:$0x7FF] =	sst s5;
	s13 =	smul.u32 $0x64, s12;
	p0 =	sne.s32 s12, $0x0  }
0xb: {  	s6 =	sor.u32 s3, s6;
	s8 =	ssub.s32 $0x2, s3;
	s3 =	smul.u32 $0x32, s3  }
0xc: {  	s12 =	simm.s32 $0x7;
	_ =	strace $0x8000004A;
	s7 =	smul.u32 $0x380, s6  }
0xd: {  	[dreg:$0x7] =	wrdreg s30;
	s9 =	sshrl.u32 s8, $0x1;
	s10 =	smul.u32 $0x32, s6  }
0xe: {  	s16 =	sshrl.u32 @!p0 s4, $0x3;
	[dreg:$0x8] =	wrdreg s31;
	s11 =	ssub.s32 s8, s9  }
0xf: {  	s1 =	sadd.s32 s7, s1;
	[dreg:$0x6] =	wrdreg s10;
	s10 =	smax.u32 s11, $0x1  }
0x10: {  	v0 =	vlaneseq.u32;
	s11 =	sadd.s32 s3, s13;
	s29 =	sadd.s32 $0x4400, s1;
	s7 =	sadd.s32 $0x12400, s1  }
0x11: {  	v0 =	vmul.u32 $0xC8, v0;
	s8 =	sadd.s32 $0x19400, s1;
	s9 =	sadd.s32 $0xB400, s1;
	[dreg:$0x9] =	wrdreg s29  }
.LBB2_1:
0x12: {  	s1 =	rddreg [dreg:$0x9]  }
0x13: {  	[tilespmem:s5], [sflag:$0x7] =	stream.linear.gather [hbm4b:s1+s5], $0x1900, $0x38;
	[tilespmem:$0x13848] =	vst v63  }
0x14: {  	_ =	swait.ge [sflag:s12], $0x1900  }
0x15: {  	[sflag:s12] =	ssyncset.done $0x0  }
0x16: {  	s6 =	simm.s32 $0x1C00;
	[sflag:s12] =	ssyncadd.s32 $0xFFFFE700  }
0x17: {  	[tilespmem:s6], [sflag:$0x7] =	stream.linear.gather [hbm4b:s7+s5], $0x1900, $0x38;
	[tilespmem:$0x13848] =	vst v63  }
0x18: {  	_ =	swait.ge [sflag:s12], $0x1900  }
0x19: {  	[sflag:s12] =	ssyncset.done $0x0  }
0x1a: {  	s13 =	simm.s32 $0x3800;
	[sflag:s12] =	ssyncadd.s32 $0xFFFFE700  }
0x1b: {  	[tilespmem:s13], [sflag:$0x7] =	stream.linear.gather [hbm4b:s8+s5], $0x1900, $0x38;
	[tilespmem:$0x13848] =	vst v63  }
0x1c: {  	_ =	swait.ge [sflag:s12], $0x1900  }
0x1d: {  	[sflag:s12] =	ssyncset.done $0x0  }
0x1e: {  	s14 =	simm.s32 $0x5400;
	[sflag:s12] =	ssyncadd.s32 $0xFFFFE700  }
0x1f: {  	[tilespmem:s14], [sflag:$0x7] =	stream.linear.gather [hbm4b:s9+s5], $0x1900, $0x38;
	[tilespmem:$0x13848] =	vst v63  }
0x20: {  	_ =	swait.ge [sflag:s12], $0x1900  }
0x21: {  	[sflag:s12] =	ssyncset.done $0x0  }
0x22: {  	[sflag:s12] =	ssyncadd.s32 $0xFFFFE700  }
0x23: {  	s1 =	simm.s32 @!p0 $0x1C07;
	s3 =	rddreg [dreg:$0x1]  }
0x24: {  	[spmem:s16], [sflag:s1] =	dma.local @!p0 [hbm:s3], $0xC90  }
0x25: {  	s1 =	simm.s32 @!p0 $0x7  }
0x26: {  	_ =	swait.ge @!p0 [sflag:s1], $0xC90  }
0x27: {  	s15 =	sadd.s32 $0x0, s11;
	[sflag:s1] =	ssyncset.done @!p0 $0x0  }
0x28: {  	p1 =	por $0x1, $0x1;
	s29 =	sand.u32 $0x7, s15;
	[sflag:s1] =	ssyncadd.s32 @!p0 $0xFFFFF370  }
0x29: {  	s26 =	simm.s32 @!p1 $0x4;
	s1 =	smul.u32 $0x6400, s29;
	[bflag:$0x0] =	sbarrier.arrive $0xFFFF  }
0x2a: {  	s3 =	sshrl.u32 s15, $0x3;
	_ =	swait.ge @!p1 [sflag:s26], $0x4000  }
0x2b: {  	s1 =	sadd.s32 s3, s1;
	[sflag:s26] =	ssyncset.done @!p1 $0x0  }
0x2c: {  	v1 =	vadd.s32 s1, v0;
	s13 =	sadd.s32 $0x1900, s1;
	[sflag:s26] =	ssyncadd.s32 @!p1 $0xFFFFC000  }
0x2d: {  	s3 =	sadd.s32 $0xC80, s1;
	v2 =	vadd.s32 s13, v0;
	[tilespmem:$0x7000] =	vst v1  }
0x2e: {  	s15 =	sadd.s32 $0x3200, s1;
	v1 =	vadd.s32 s3, v0;
	[tilespmem:$0x7020] =	vst v2  }
0x2f: {  	s6 =	sadd.s32 $0x5780, s1;
	v2 =	vadd.s32 s15, v0;
	[tilespmem:$0x7010] =	vst v1  }
0x30: {  	s14 =	sadd.s32 $0x2580, s1;
	s29 =	sadd.s32 $0x3E80, s1;
	s1 =	sadd.s32 $0x4B00, s1;
	v1 =	vadd.s32 s6, v0;
	[tilespmem:$0x7040] =	vst v2  }
0x31: {  	v2 =	vadd.s32 s1, v0;
	[tilespmem:$0x7070] =	vst v1  }
0x32: {  	v1 =	vadd.s32 s14, v0;
	[tilespmem:$0x7060] =	vst v2  }
0x33: {  	[tilespmem:$0x7030] =	vst v1;
	v1 =	vadd.s32 s29, v0  }
0x34: {  	s6 =	simm.s32 $0x5400;
	[tilespmem:$0x7050] =	vst v1  }
0x35: {  	[tilespmem:s18], [sflag:$0x1] =	stream.indirect.gather [spmem:s4], $0x80, s6, s17, $0xb8;
	[tilespmem:$0x13848] =	vst v63  }
0x36: {  	_ =	swait.ge [sflag:s19], $0x4000  }
0x37: {  	[sflag:s19] =	ssyncset.done $0x0  }
0x38: {  	s13 =	simm.s32 $0x0;
	[sflag:s19] =	ssyncadd.s32 $0xFFFFC000  }
0x39: {  	[tilespmem:s18], [sflag:$0x1] =	stream.indirect.gather.add.f32 [hbm:s0], $0x80, s13, s17, $0xb8;
	[tilespmem:$0x13848] =	vst v63  }
0x3a: {  	p1 =	por $0x1, $0x1;
	s14 =	simm.s32 $0x1C00  }
0x3b: {  	[tilespmem:s18], [sflag:$0x1] =	stream.indirect.gather.add.f32 [hbm:s0], $0x80, s14, s17, $0xb8;
	[tilespmem:$0x13848] =	vst v63  }
0x3c: {  	s15 =	simm.s32 $0x3800;
	s3 =	simm.s32 @!p1 $0x3  }
0x3d: {  	[tilespmem:s18], [sflag:$0x1] =	stream.indirect.gather.add.f32 [hbm:s0], $0x80, s15, s17, $0xb8;
	[tilespmem:$0x13848] =	vst v63  }
0x3e: {  	_ =	swait.ge @!p1 [sflag:s3], $0x4000  }
0x3f: {  	[sflag:s3] =	ssyncset.done @!p1 $0x0  }
0x40: {  	[sflag:s3] =	ssyncadd.s32 @!p1 $0xFFFFC000  }
0x41: {  	_ =	swait.ge @!p1 [sflag:s3], $0x4000  }
0x42: {  	[sflag:s3] =	ssyncset.done @!p1 $0x0  }
0x43: {  	[sflag:s3] =	ssyncadd.s32 @!p1 $0xFFFFC000  }
0x44: {  	p2 =	por @!p1 $0x1, $0x1;
	s26 =	simm.s32 @!p1 $0xF848;
	_ =	swait.ge @!p1 [sflag:s3], $0x4000  }
0x45: {  	p2 =	por p2, p1;
	s1 =	simm.s32 @!p1 $0x7100;
	[sflag:s3] =	ssyncset.done @!p1 $0x0  }
0x46: {  	s28 =	simm.s32 @!p2 $0x5;
	[sflag:s3] =	ssyncadd.s32 @!p1 $0xFFFFC000;
	s3 =	simm.s32 @!p1 $0x80  }
0x47: {  	[hbm4b:s2+s3] =	stream.indirect.scatter @!p1 [tilespmem:s26], [sflag:$0x6], $0x80, s1, s3, $0xb8;
	[tilespmem:$0x13848] =	vst v63  }
0x48: {  	s3 =	simm.s32 @!p1 $0x1;
	_ =	swait.ge @!p2 [sflag:s28], $0x4000  }
0x49: {  	s3 =	simm.s32 @p1 $0x1;
	s26 =	rddreg [dreg:$0x6]  }
0x4a: {  	s1 =	sadd.s32 s26, s3  }
0x4b: {  	s29 =	sand.u32 $0x7, s1  }
0x4c: {  	s26 =	smul.u32 $0x6400, s29  }
0x4d: {  	s1 =	sshrl.u32 s1, $0x3  }
0x4e: {  	[sflag:s28] =	ssyncset.done @!p2 $0x0;
	s1 =	sadd.s32 s1, s26  }
0x4f: {  	[sflag:s28] =	ssyncadd.s32 @!p2 $0xFFFFC000;
	v1 =	vadd.s32 s1, v0;
	s26 =	sadd.s32 $0xC80, s1  }
0x50: {  	s28 =	sadd.s32 $0x4B00, s1;
	[tilespmem:$0x7080] =	vst v1;
	v1 =	vadd.s32 s26, v0  }
0x51: {  	s6 =	sadd.s32 $0x3200, s1;
	v2 =	vadd.s32 s28, v0;
	[tilespmem:$0x7090] =	vst v1  }
0x52: {  	s28 =	sadd.s32 $0x2580, s1;
	v1 =	vadd.s32 s6, v0;
	[tilespmem:$0x70E0] =	vst v2  }
0x53: {  	s13 =	sadd.s32 $0x1900, s1;
	v2 =	vadd.s32 s28, v0;
	[tilespmem:$0x70C0] =	vst v1  }
0x54: {  	s14 =	sadd.s32 $0x5780, s1;
	s1 =	sadd.s32 $0x3E80, s1;
	v1 =	vadd.s32 s13, v0;
	[tilespmem:$0x70B0] =	vst v2  }
0x55: {  	v2 =	vadd.s32 s1, v0;
	[tilespmem:$0x70A0] =	vst v1  }
0x56: {  	s15 =	sshll.u32 s3, $0x7;
	v1 =	vadd.s32 s14, v0;
	[tilespmem:$0x70D0] =	vst v2  }
0x57: {  	s3 =	sadd.s32 $0x5400, s15;
	[tilespmem:$0x70F0] =	vst v1  }
0x58: {  	[tilespmem:s20], [sflag:$0x2] =	stream.indirect.gather [spmem:s4], $0x80, s3, s17, $0xb8;
	[tilespmem:$0x13848] =	vst v63  }
0x59: {  	_ =	swait.ge [sflag:s21], $0x4000  }
0x5a: {  	[sflag:s21] =	ssyncset.done $0x0  }
0x5b: {  	[sflag:s21] =	ssyncadd.s32 $0xFFFFC000  }
0x5c: {  	[tilespmem:s20], [sflag:$0x2] =	stream.indirect.gather.add.f32 [hbm:s0], $0x80, s15, s17, $0xb8;
	[tilespmem:$0x13848] =	vst v63  }
0x5d: {  	s26 =	sadd.s32 $0x1C00, s15  }
0x5e: {  	[tilespmem:s20], [sflag:$0x2] =	stream.indirect.gather.add.f32 [hbm:s0], $0x80, s26, s17, $0xb8;
	[tilespmem:$0x13848] =	vst v63  }
0x5f: {  	s1 =	sadd.s32 $0x3800, s15  }
0x60: {  	[tilespmem:s20], [sflag:$0x2] =	stream.indirect.gather.add.f32 [hbm:s0], $0x80, s1, s17, $0xb8;
	[tilespmem:$0x13848] =	vst v63  }
0x61: {  	_ =	swait.ge [sflag:s19], $0x4000  }
0x62: {  	[sflag:s19] =	ssyncset.done $0x0  }
0x63: {  	[sflag:s19] =	ssyncadd.s32 $0xFFFFC000  }
0x64: {  	_ =	swait.ge [sflag:s19], $0x4000  }
0x65: {  	p2 =	por $0x0, $0x0;
	[sflag:s19] =	ssyncset.done $0x0  }
0x66: {  	p1 =	por $0x1, $0x1;
	s1 =	sadd.s32 @!p2 $0x0, s11;
	[sflag:s19] =	ssyncadd.s32 $0xFFFFC000  }
0x67: {  	s28 =	simm.s32 @!p1 $0x6;
	s1 =	sadd.s32 @!p2 $0x2, s1;
	_ =	swait.ge [sflag:s19], $0x4000  }
0x68: {  	s26 =	sand.u32 @!p2 $0x7, s1;
	s1 =	sshrl.u32 @!p2 s1, $0x3;
	[sflag:s19] =	ssyncset.done $0x0  }
0x69: {  	s26 =	smul.u32 @!p2 $0x6400, s26;
	s29 =	rddreg [dreg:$0x7];
	[sflag:s19] =	ssyncadd.s32 $0xFFFFC000  }
0x6a: {  	v1 =	vlaneseq.u32 @!p2;
	[hbm4b:s2+s17] =	stream.indirect.scatter [tilespmem:s18], [sflag:$0x4], $0x80, s29, s17, $0xb8;
	[tilespmem:$0x13848] =	vst v63  }
0x6b: {  	v5 =	vmul.u32 @!p2 $0xC8, v1;
	s1 =	sadd.s32 @!p2 s1, s26;
	_ =	swait.ge @!p1 [sflag:s28], $0x4000  }
0x6c: {  	s31 =	simm.s32 @!p2 $0x5500;
	s3 =	sadd.s32 @!p2 $0x3E80, s1;
	[sflag:s28] =	ssyncset.done @!p1 $0x0  }
0x6d: {  	s30 =	simm.s32 @!p2 $0x100;
	v1 =	vadd.s32 @!p2 s3, v5;
	s29 =	sadd.s32 @!p2 $0x2580, s1;
	[sflag:s28] =	ssyncadd.s32 @!p1 $0xFFFFC000  }
0x6e: {  	s26 =	simm.s32 $0x600;
	s3 =	sadd.s32 @!p2 $0xC80, s1;
	v3 =	vadd.s32 @!p2 s29, v5;
	s28 =	sadd.s32 @!p2 $0x4B00, s1;
	[tilespmem:$0x7150] =	vst @!p2 v1  }
0x6f: {  	v2 =	vadd.s32 @!p2 s3, v5;
	s3 =	sadd.s32 @!p2 $0x3200, s1;
	v1 =	vadd.s32 @!p2 s1, v5;
	v6 =	vadd.s32 @!p2 s28, v5;
	s28 =	sadd.s32 @!p2 $0x1900, s1;
	s1 =	sadd.s32 @!p2 $0x5780, s1;
	[tilespmem:$0x7130] =	vst @!p2 v3  }
0x70: {  	v4 =	vadd.s32 @!p2 s3, v5;
	s3 =	simm.s32 @!p2 $0x1D00;
	v3 =	vadd.s32 @!p2 s28, v5;
	v5 =	vadd.s32 @!p2 s1, v5;
	s1 =	simm.s32 @!p2 $0x3900;
	[tilespmem:$0x7160] =	vst @!p2 v6;
	s28 =	simm.s32 $0x0  }
.LBB2_2:
0x71: {  	[tilespmem:$0x7170] =	vst @!p2 v5  }
0x72: {  	[tilespmem:$0x7100] =	vst @!p2 v1  }
0x73: {  	[tilespmem:$0x7110] =	vst @!p2 v2  }
0x74: {  	[tilespmem:$0x7140] =	vst @!p2 v4  }
0x75: {  	s13 =	simm.s32 @!p2 $0x80;
	s14 =	simm.s32 @!p2 $0xF848;
	[tilespmem:$0x7120] =	vst @!p2 v3;
	s15 =	simm.s32 @!p2 $0x3  }
0x76: {  	[tilespmem:s14], [sflag:$0x3] =	stream.indirect.gather @!p2 [spmem:s4], $0x80, s31, s13, $0xb8;
	[tilespmem:$0x13848] =	vst v63  }
0x77: {  	_ =	swait.ge @!p2 [sflag:s15], $0x4000  }
0x78: {  	[sflag:s15] =	ssyncset.done @!p2 $0x0  }
0x79: {  	[sflag:s15] =	ssyncadd.s32 @!p2 $0xFFFFC000  }
0x7a: {  	[tilespmem:s14], [sflag:$0x3] =	stream.indirect.gather.add.f32 @!p2 [hbm:s0], $0x80, s30, s13, $0xb8;
	[tilespmem:$0x13848] =	vst v63  }
0x7b: {  	_ = 	snop  }
0x7c: {  	[tilespmem:s14], [sflag:$0x3] =	stream.indirect.gather.add.f32 @!p2 [hbm:s0], $0x80, s3, s13, $0xb8;
	[tilespmem:$0x13848] =	vst v63  }
0x7d: {  	_ = 	snop  }
0x7e: {  	[tilespmem:s14], [sflag:$0x3] =	stream.indirect.gather.add.f32 @!p2 [hbm:s0], $0x80, s1, s13, $0xb8;
	[tilespmem:$0x13848] =	vst v63  }
0x7f: {  	_ =	swait.ge [sflag:s21], $0x4000  }
0x80: {  	[sflag:s21] =	ssyncset.done $0x0  }
0x81: {  	[sflag:s21] =	ssyncadd.s32 $0xFFFFC000  }
0x82: {  	_ =	swait.ge [sflag:s21], $0x4000  }
0x83: {  	s28 =	sadd.s32 $0x3, s28;
	[sflag:s21] =	ssyncset.done $0x0  }
0x84: {  	s13 =	sadd.s32 $0xFFFFFFFD, s28;
	[sflag:s21] =	ssyncadd.s32 $0xFFFFC000  }
0x85: {  	s14 =	sadd.s32 s28, s11;
	p2 =	sgt.u32 s13, $0x2E;
	_ =	swait.ge [sflag:s21], $0x4000  }
0x86: {  	s15 =	sand.u32 $0x7, s14;
	s3 =	simm.s32 @!p2 $0x4;
	[sflag:s21] =	ssyncset.done $0x0  }
0x87: {  	s1 =	smul.u32 $0x6400, s15;
	s6 =	rddreg [dreg:$0x8];
	[sflag:s21] =	ssyncadd.s32 $0xFFFFC000  }
0x88: {  	[hbm4b:s2+s17] =	stream.indirect.scatter [tilespmem:s20], [sflag:$0x5], $0x80, s6, s17, $0xb8;
	[tilespmem:$0x13848] =	vst v63  }
0x89: {  	s13 =	sshrl.u32 s14, $0x3;
	_ =	swait.ge @!p2 [sflag:s3], $0x4000  }
0x8a: {  	s1 =	sadd.s32 s13, s1;
	[sflag:s3] =	ssyncset.done @!p2 $0x0  }
0x8b: {  	v1 =	vadd.s32 s1, v0;
	s15 =	sadd.s32 $0x5780, s1;
	[sflag:s3] =	ssyncadd.s32 @!p2 $0xFFFFC000  }
0x8c: {  	s13 =	sadd.s32 $0x1900, s1;
	v4 =	vadd.s32 s15, v0;
	[tilespmem:$0x7000] =	vst v1  }
0x8d: {  	s14 =	sadd.s32 $0x3E80, s1;
	v2 =	vadd.s32 s13, v0;
	[tilespmem:$0x7070] =	vst v4  }
0x8e: {  	v3 =	vadd.s32 s14, v0;
	s6 =	sadd.s32 $0xC80, s1;
	[tilespmem:$0x7020] =	vst v2  }
0x8f: {  	v1 =	vadd.s32 s6, v0;
	s6 =	sadd.s32 $0x2580, s1;
	[tilespmem:$0x7050] =	vst v3  }
0x90: {  	s13 =	sadd.s32 $0x3200, s1;
	[tilespmem:$0x7010] =	vst v1;
	v5 =	vadd.s32 s6, v0  }
0x91: {  	s29 =	smov.u32 s26;
	s1 =	sadd.s32 $0x4B00, s1;
	v1 =	vadd.s32 s13, v0;
	[tilespmem:$0x7030] =	vst v5  }
0x92: {  	s14 =	sshra.s32 s29, $0x2;
	v6 =	vadd.s32 s1, v0;
	[tilespmem:$0x7040] =	vst v1  }
0x93: {  	s15 =	sadd.s32 $0x5400, s14;
	[tilespmem:$0x7060] =	vst v6  }
0x94: {  	[tilespmem:s18], [sflag:$0x1] =	stream.indirect.gather [spmem:s4], $0x80, s15, s17, $0xb8;
	[tilespmem:$0x13848] =	vst v63  }
0x95: {  	_ =	swait.ge [sflag:s19], $0x4000  }
0x96: {  	[sflag:s19] =	ssyncset.done $0x0  }
0x97: {  	s30 =	sadd.s32 $0xFFFFFFFF, s28;
	[sflag:s19] =	ssyncadd.s32 $0xFFFFC000  }
0x98: {  	[tilespmem:s18], [sflag:$0x1] =	stream.indirect.gather.add.f32 [hbm:s0], $0x80, s14, s17, $0xb8;
	[tilespmem:$0x13848] =	vst v63  }
0x99: {  	p2 =	sgt.u32 s30, $0x31;
	s6 =	sadd.s32 $0x1C00, s14  }
0x9a: {  	[tilespmem:s18], [sflag:$0x1] =	stream.indirect.gather.add.f32 [hbm:s0], $0x80, s6, s17, $0xb8;
	[tilespmem:$0x13848] =	vst v63  }
0x9b: {  	s3 =	simm.s32 @!p2 $0x3;
	s1 =	sadd.s32 $0x3800, s14  }
0x9c: {  	[tilespmem:s18], [sflag:$0x1] =	stream.indirect.gather.add.f32 [hbm:s0], $0x80, s1, s17, $0xb8;
	[tilespmem:$0x13848] =	vst v63  }
0x9d: {  	_ =	swait.ge @!p2 [sflag:s3], $0x4000  }
0x9e: {  	[sflag:s3] =	ssyncset.done @!p2 $0x0  }
0x9f: {  	[sflag:s3] =	ssyncadd.s32 @!p2 $0xFFFFC000  }
0xa0: {  	_ =	swait.ge @!p2 [sflag:s3], $0x4000  }
0xa1: {  	s13 =	sadd.s32 @!p2 $0xFFFFFFFE, s28;
	[sflag:s3] =	ssyncset.done @!p2 $0x0  }
0xa2: {  	p3 =	sgt.u32 @!p2 s13, $0x2E;
	[sflag:s3] =	ssyncadd.s32 @!p2 $0xFFFFC000  }
0xa3: {  	p3 =	por p3, p2;
	_ =	swait.ge @!p2 [sflag:s3], $0x4000  }
0xa4: {  	s13 =	simm.s32 @!p2 $0xF848;
	s14 =	simm.s32 @!p3 $0x5;
	[sflag:s3] =	ssyncset.done @!p2 $0x0  }
0xa5: {  	s1 =	simm.s32 @!p2 $0x7100;
	[sflag:s3] =	ssyncadd.s32 @!p2 $0xFFFFC000;
	s3 =	simm.s32 @!p2 $0x80  }
0xa6: {  	[hbm4b:s2+s3] =	stream.indirect.scatter @!p2 [tilespmem:s13], [sflag:$0x6], $0x80, s1, s3, $0xb8;
	[tilespmem:$0x13848] =	vst v63  }
0xa7: {  	s31 =	sadd.s32 @!p2 $0x1, s28;
	_ =	swait.ge @!p3 [sflag:s14], $0x4000  }
0xa8: {  	s31 =	simm.s32 @p2 $0x1;
	s13 =	rddreg [dreg:$0x6]  }
0xa9: {  	s1 =	sadd.s32 s13, s31  }
0xaa: {  	s15 =	sand.u32 $0x7, s1  }
0xab: {  	s3 =	smul.u32 $0x6400, s15  }
0xac: {  	s1 =	sshrl.u32 s1, $0x3  }
0xad: {  	[sflag:s14] =	ssyncset.done @!p3 $0x0;
	s1 =	sadd.s32 s1, s3  }
0xae: {  	[sflag:s14] =	ssyncadd.s32 @!p3 $0xFFFFC000;
	v1 =	vadd.s32 s1, v0;
	s3 =	sadd.s32 $0xC80, s1  }
0xaf: {  	s13 =	sadd.s32 $0x1900, s1;
	[tilespmem:$0x7080] =	vst v1;
	v1 =	vadd.s32 s3, v0  }
0xb0: {  	s6 =	sadd.s32 $0x2580, s1;
	v5 =	vadd.s32 s13, v0;
	[tilespmem:$0x7090] =	vst v1  }
0xb1: {  	s15 =	sadd.s32 $0x3E80, s1;
	v2 =	vadd.s32 s6, v0;
	[tilespmem:$0x70A0] =	vst v5  }
0xb2: {  	s14 =	sadd.s32 $0x3200, s1;
	v3 =	vadd.s32 s15, v0;
	[tilespmem:$0x70B0] =	vst v2  }
0xb3: {  	s6 =	sadd.s32 $0x4B00, s1;
	v1 =	vadd.s32 s14, v0;
	[tilespmem:$0x70D0] =	vst v3  }
0xb4: {  	s1 =	sadd.s32 $0x5780, s1;
	v4 =	vadd.s32 s6, v0;
	[tilespmem:$0x70C0] =	vst v1  }
0xb5: {  	s13 =	sshll.u32 s31, $0x7;
	v1 =	vadd.s32 s1, v0;
	[tilespmem:$0x70E0] =	vst v4  }
0xb6: {  	s14 =	sadd.s32 $0x5400, s13;
	[tilespmem:$0x70F0] =	vst v1  }
0xb7: {  	[tilespmem:s20], [sflag:$0x2] =	stream.indirect.gather [spmem:s4], $0x80, s14, s17, $0xb8;
	[tilespmem:$0x13848] =	vst v63  }
0xb8: {  	_ =	swait.ge [sflag:s21], $0x4000  }
0xb9: {  	[sflag:s21] =	ssyncset.done $0x0  }
0xba: {  	[sflag:s21] =	ssyncadd.s32 $0xFFFFC000  }
0xbb: {  	[tilespmem:s20], [sflag:$0x2] =	stream.indirect.gather.add.f32 [hbm:s0], $0x80, s13, s17, $0xb8;
	[tilespmem:$0x13848] =	vst v63  }
0xbc: {  	s15 =	sadd.s32 $0x1C00, s13  }
0xbd: {  	[tilespmem:s20], [sflag:$0x2] =	stream.indirect.gather.add.f32 [hbm:s0], $0x80, s15, s17, $0xb8;
	[tilespmem:$0x13848] =	vst v63  }
0xbe: {  	s1 =	sadd.s32 $0x3800, s13  }
0xbf: {  	[tilespmem:s20], [sflag:$0x2] =	stream.indirect.gather.add.f32 [hbm:s0], $0x80, s1, s17, $0xb8;
	[tilespmem:$0x13848] =	vst v63  }
0xc0: {  	_ =	swait.ge [sflag:s19], $0x4000  }
0xc1: {  	[sflag:s19] =	ssyncset.done $0x0  }
0xc2: {  	p2 =	seq.s32 s29, $0x6000;
	[sflag:s19] =	ssyncadd.s32 $0xFFFFC000  }
0xc3: {  	s3 =	sadd.s32 @!p2 s28, s11;
	_ =	swait.ge [sflag:s19], $0x4000  }
0xc4: {  	s26 =	sadd.s32 $0x600, s26;
	s3 =	sadd.s32 @!p2 $0x2, s3;
	[sflag:s19] =	ssyncset.done $0x0  }
0xc5: {  	p1 =	sne.s32 s26, $0x6600;
	s14 =	sand.u32 @!p2 $0x7, s3;
	[sflag:s19] =	ssyncadd.s32 $0xFFFFC000  }
0xc6: {  	p3 =	sgt.u32 s30, $0x2E;
	s14 =	smul.u32 @!p2 $0x6400, s14;
	_ =	swait.ge [sflag:s19], $0x4000  }
0xc7: {  	s3 =	sshrl.u32 @!p2 s3, $0x3;
	s15 =	simm.s32 @!p3 $0x6;
	[sflag:s19] =	ssyncset.done $0x0  }
0xc8: {  	v1 =	vlaneseq.u32 @!p2;
	s1 =	sadd.s32 @!p2 s3, s14;
	s6 =	rddreg [dreg:$0x7];
	[sflag:s19] =	ssyncadd.s32 $0xFFFFC000  }
0xc9: {  	v5 =	vmul.u32 @!p2 $0xC8, v1;
	[hbm4b:s2+s17] =	stream.indirect.scatter [tilespmem:s18], [sflag:$0x4], $0x80, s6, s17, $0xb8;
	[tilespmem:$0x13848] =	vst v63  }
0xca: {  	s13 =	sshra.s32 @!p2 s29, $0x2;
	s29 =	sadd.s32 @!p2 $0x3200, s1;
	_ =	swait.ge @!p3 [sflag:s15], $0x4000  }
.Ltmp0:
0xcb: {  	v4 =	vadd.s32 @!p2 s29, v5;
	s29 =	sadd.s32 @!p2 $0x3E80, s1;
	[sflag:s15] =	ssyncset.done @!p3 $0x0;
	(pc) =	sbr.rel @p1 .LBB2_2-.Ltmp0, $4  }
0xcc: {  	v7 =	vadd.s32 @!p2 s29, v5;
	s6 =	sadd.s32 @!p2 $0x2580, s1;
	[sflag:s15] =	ssyncadd.s32 @!p3 $0xFFFFC000  }
0xcd: {  	s14 =	sadd.s32 @!p2 $0xC80, s1;
	v6 =	vadd.s32 @!p2 s6, v5;
	s6 =	sadd.s32 @!p2 $0x4B00, s1;
	[tilespmem:$0x7150] =	vst @!p2 v7  }
0xce: {  	s31 =	sadd.s32 @!p2 $0x5500, s13;
	v1 =	vadd.s32 @!p2 s1, v5;
	v2 =	vadd.s32 @!p2 s14, v5;
	s14 =	sadd.s32 @!p2 $0x1900, s1;
	s1 =	sadd.s32 @!p2 $0x5780, s1;
	v7 =	vadd.s32 @!p2 s6, v5;
	[tilespmem:$0x7130] =	vst @!p2 v6  }
0xcf: {  	s30 =	sadd.s32 @!p2 $0x100, s13;
	s3 =	sadd.s32 @!p2 $0x1D00, s13;
	v3 =	vadd.s32 @!p2 s14, v5;
	v5 =	vadd.s32 @!p2 s1, v5;
	s1 =	sadd.s32 @!p2 $0x3900, s13;
	[tilespmem:$0x7160] =	vst @!p2 v7  }
0xd0: {  	[tilespmem:$0x7170] =	vst @!p2 v5  }
0xd1: {  	[tilespmem:$0x7100] =	vst @!p2 v1  }
0xd2: {  	[tilespmem:$0x7110] =	vst @!p2 v2  }
0xd3: {  	[tilespmem:$0x7140] =	vst @!p2 v4  }
0xd4: {  	s6 =	simm.s32 @!p2 $0x80;
	s13 =	simm.s32 @!p2 $0xF848;
	[tilespmem:$0x7120] =	vst @!p2 v3;
	s14 =	simm.s32 @!p2 $0x3  }
0xd5: {  	[tilespmem:s13], [sflag:$0x3] =	stream.indirect.gather @!p2 [spmem:s4], $0x80, s31, s6, $0xb8;
	[tilespmem:$0x13848] =	vst v63  }
0xd6: {  	_ =	swait.ge @!p2 [sflag:s14], $0x4000  }
0xd7: {  	[sflag:s14] =	ssyncset.done @!p2 $0x0  }
0xd8: {  	[sflag:s14] =	ssyncadd.s32 @!p2 $0xFFFFC000  }
0xd9: {  	[tilespmem:s13], [sflag:$0x3] =	stream.indirect.gather.add.f32 @!p2 [hbm:s0], $0x80, s30, s6, $0xb8;
	[tilespmem:$0x13848] =	vst v63  }
0xda: {  	_ = 	snop  }
0xdb: {  	[tilespmem:s13], [sflag:$0x3] =	stream.indirect.gather.add.f32 @!p2 [hbm:s0], $0x80, s3, s6, $0xb8;
	[tilespmem:$0x13848] =	vst v63  }
0xdc: {  	_ = 	snop  }
0xdd: {  	[tilespmem:s13], [sflag:$0x3] =	stream.indirect.gather.add.f32 @!p2 [hbm:s0], $0x80, s1, s6, $0xb8;
	[tilespmem:$0x13848] =	vst v63  }
0xde: {  	_ =	swait.ge [sflag:s21], $0x4000  }
0xdf: {  	[sflag:s21] =	ssyncset.done $0x0  }
0xe0: {  	[sflag:s21] =	ssyncadd.s32 $0xFFFFC000  }
0xe1: {  	_ =	swait.ge [sflag:s21], $0x4000  }
0xe2: {  	[sflag:s21] =	ssyncset.done $0x0  }
0xe3: {  	[sflag:s21] =	ssyncadd.s32 $0xFFFFC000  }
0xe4: {  	_ =	swait.ge [sflag:s21], $0x4000  }
0xe5: {  	[sflag:s21] =	ssyncset.done $0x0  }
0xe6: {  	s31 =	rddreg [dreg:$0x8];
	[sflag:s21] =	ssyncadd.s32 $0xFFFFC000  }
0xe7: {  	[hbm4b:s2+s17] =	stream.indirect.scatter [tilespmem:s20], [sflag:$0x5], $0x80, s31, s17, $0xb8;
	[tilespmem:$0x13848] =	vst v63  }
0xe8: {  	_ =	swait.ge [sflag:s22], $0x4000  }
0xe9: {  	[sflag:s22] =	ssyncset.done $0x0  }
0xea: {  	s25 =	sadd.s32 $0x1, s25;
	[sflag:s22] =	ssyncadd.s32 $0xFFFFC000  }
0xeb: {  	p1 =	sne.s32 s25, s10;
	_ =	swait.ge [sflag:s23], $0x4000  }
.Ltmp1:
0xec: {  	[sflag:s23] =	ssyncset.done $0x0;
	(pc) =	sbr.rel @p1 .LBB2_1-.Ltmp1, $4  }
0xed: {  	[sflag:s23] =	ssyncadd.s32 $0xFFFFC000  }
0xee: {  	_ =	swait.ge [sflag:s24], $0x4000  }
0xef: {  	[sflag:s24] =	ssyncset.done $0x0  }
0xf0: {  	[sflag:s24] =	ssyncadd.s32 $0xFFFFC000  }
0xf1: {  	_ =	sfence.sel $0x180000  }
0xf2: {  	[bflag:$0x0] =	sbarrier.arrive $0xFFFF  }
0xf3: {  	_ =	strace $0x9000004A  }
0xf4: {  	[bflag:$0x2] =	sbarrier.arrive $0xFFFF  }
0xf5: {  	s0 =	rddreg [dreg:$0x5]  }
0xf6: {  	s0 =	sadd.s32 @!p0 $0x100000, s0  }
0xf7: {  	[sflag:s0] =	ssyncadd.tile.s32 @!p0 $0x1;
	_ =	shalt  }
.Lfunc_end2:
_tile_overlayer_lowered:
.L_overlay_start_2:
0xf8: {  	(tag) =	ssettag $0x2  }
0xf9: {  	s0 =	rddreg [dreg:$0x0];
	s2 =	stileid.u32  }
0xfa: {  	s1 =	rddreg [dreg:$0x1];
	p0 =	sne.s32 s2, $0x0  }
0xfb: {  	s3 =	rddreg [dreg:$0x2];
	[bflag:$0x3] =	sbarrier.arrive $0xFFFF;
	s2 =	simm.s32 @!p0 $0x1C07  }
0xfc: {  	[timem:s3], [sflag:s2] =	dma.local @!p0 [hbm:s0], s1  }
0xfd: {  	s0 =	simm.s32 @!p0 $0x7  }
0xfe: {  	_ =	swait.ge @!p0 [sflag:s0], s1  }
0xff: {  	s1 =	ssub.s32 @!p0 $0x0, s1;
	[sflag:s0] =	ssyncset.done @!p0 $0x0  }
0x100: {  	[sflag:s0] =	ssyncadd.s32 @!p0 s1  }
0x101: {  	[bflag:$0x3] =	sbarrier.arrive $0xFFFF  }
0x102: {  	_ =	shalt  }

</sc_bundles>
